<compile_context>
chip_gen: v7x
topology: tpu7x:2x2x1
jax: 0.10.2.dev20260603
libtpu: 0.0.44.dev20260713+nightly
codegen_flags: <defaults>
</compile_context>

<pallas_src>
import functools

import jax
import jax.numpy as jnp
import numpy as np
from jax import lax
from jax.experimental import pallas as pl
from jax.experimental.pallas import tpu as pltpu
from jax.experimental.pallas import tpu_sc as plsc

B = 16384
NUM = 13
F = 26
V = 100000
D = 32
NF = F + 1
NPAIR = NF * (NF - 1) // 2
NPAD = 352

_NC, _NS = 2, 16
NW = _NC * _NS
ROWS = B * F
CH = 128
NCH = ROWS // NW // CH


@functools.lru_cache(maxsize=None)
def _make_sc_gather():
    mesh = plsc.VectorSubcoreMesh(core_axis_name="c", subcore_axis_name="s")
    return functools.partial(
        pl.kernel,
        out_type=jax.ShapeDtypeStruct((ROWS, D), jnp.float32),
        mesh=mesh,
        scratch_types=[
            pltpu.VMEM((NCH, CH), jnp.int32),
            pltpu.VMEM((CH, D), jnp.float32),
            pltpu.VMEM((CH, D), jnp.float32),
            pltpu.SemaphoreType.DMA,
            pltpu.SemaphoreType.DMA,
        ],
        compiler_params=pltpu.CompilerParams(
            use_tc_tiling_on_sc=False, needs_layout_passes=False),
    )(_sc_gather_body)


def _sc_gather_body(table_hbm, idx_hbm, out_hbm, idx_v, buf0, buf1,
                    sem0, sem1):
    wid = lax.axis_index("s") * _NC + lax.axis_index("c")
    cbase = wid * NCH
    pltpu.sync_copy(idx_hbm.at[wid], idx_v)
    pltpu.async_copy(table_hbm.at[idx_v.at[0]], buf0, sem0)

    def flush(j, buf, sem):
        pltpu.make_async_copy(table_hbm.at[idx_v.at[j]], buf, sem).wait()
        pltpu.sync_copy(buf, out_hbm.at[pl.ds((cbase + j) * CH, CH)])

    def body(k, carry):
        j0 = 2 * k
        pltpu.async_copy(table_hbm.at[idx_v.at[j0 + 1]], buf1, sem1)
        flush(j0, buf0, sem0)

        @pl.when(j0 + 2 < NCH)
        def _():
            pltpu.async_copy(table_hbm.at[idx_v.at[j0 + 2]], buf0, sem0)

        flush(j0 + 1, buf1, sem1)
        return carry

    lax.fori_loop(0, NCH // 2, body, 0)


BK = 512
GPB = BK // CH


def _tc_body(num_ref, embs_ref,
             bw0_ref, bb0_ref, bw1_ref, bb1_ref, bw2_ref, bb2_ref,
             tw0a_ref, tw0b_ref, tb0_ref, tw1_ref, tb1_ref, tw2_ref, tb2_ref,
             tw3_ref, tb3_ref, tw4_ref, tb4_ref, out_ref, zscr):
    nm = num_ref[...]
    h = jnp.maximum(bw0_ref[...] @ nm + bb0_ref[...], 0.0)
    h = jnp.maximum(bw1_ref[...] @ h + bb1_ref[...], 0.0)
    bot = jnp.maximum(bw2_ref[...] @ h + bb2_ref[...], 0.0)
    em = embs_ref[...]
    et = em.T
    tfull = jnp.concatenate([bot, et], axis=0)
    tfull = tfull.astype(jnp.bfloat16).astype(jnp.float32)
    for n in range(1, NF):
        vn = tfull[n * D:(n + 1) * D, :]
        pre = tfull[0:n * D, :].reshape(n, D, BK)
        pr = jnp.sum(pre * vn[None, :, :], axis=1)
        zscr[pl.ds(n * (n - 1) // 2, n), :] = pr
    zscr[NPAIR] = jnp.zeros((BK,), jnp.float32)
    zt = zscr[...]
    h = jnp.maximum(tw0a_ref[...] @ bot + tw0b_ref[...] @ zt + tb0_ref[...], 0.0)
    h = jnp.maximum(tw1_ref[...] @ h + tb1_ref[...], 0.0)
    h = jnp.maximum(tw2_ref[...] @ h + tb2_ref[...], 0.0)
    h = jnp.maximum(tw3_ref[...] @ h + tb3_ref[...], 0.0)
    out_ref[...] = tw4_ref[...] @ h + tb4_ref[...]


def _full2(shape):
    return pl.BlockSpec(shape, lambda i: (0, 0))


def _tc_fused(numT, embs, bw0t, bb0c, bw1t, bb1c, bw2t, bb2c,
              tw0at, tw0bt, tb0c, tw1t, tb1c, tw2t, tb2c, tw3t, tb3c,
              tw4t, tb4c):
    grid = (B // BK,)
    in_specs = [
        pl.BlockSpec((NUM, BK), lambda i: (0, i)),
        pl.BlockSpec((BK, F * D), lambda i: (i, 0)),
        _full2(bw0t.shape), _full2(bb0c.shape), _full2(bw1t.shape),
        _full2(bb1c.shape), _full2(bw2t.shape), _full2(bb2c.shape),
        _full2(tw0at.shape), _full2(tw0bt.shape), _full2(tb0c.shape),
        _full2(tw1t.shape), _full2(tb1c.shape), _full2(tw2t.shape),
        _full2(tb2c.shape), _full2(tw3t.shape), _full2(tb3c.shape),
        _full2(tw4t.shape), _full2(tb4c.shape),
    ]
    return pl.pallas_call(
        _tc_body,
        grid=grid,
        in_specs=in_specs,
        out_specs=pl.BlockSpec((1, BK), lambda i: (0, i)),
        out_shape=jax.ShapeDtypeStruct((1, B), jnp.float32),
        scratch_shapes=[pltpu.VMEM((NPAD, BK), jnp.float32)],
    )(numT, embs, bw0t, bb0c, bw1t, bb1c, bw2t, bb2c,
      tw0at, tw0bt, tb0c, tw1t, tb1c, tw2t, tb2c, tw3t, tb3c, tw4t, tb4c)


def kernel(numerical_input, categorical_inputs, emb_tables,
           bw0, bb0, bw1, bb1, bw2, bb2,
           tw0, tb0, tw1, tb1, tw2, tb2, tw3, tb3, tw4, tb4):
    cat = categorical_inputs.astype(jnp.int32)
    flat_idx = (cat + (jnp.arange(F, dtype=jnp.int32) * V)[None, :]).reshape(-1)
    idx3 = flat_idx.reshape(NW, NCH, CH)
    table = emb_tables.reshape(F * V, D)
    embs = _make_sc_gather()(table, idx3).reshape(B, F * D)

    outT = _tc_fused(
        numerical_input.T, embs,
        bw0.T, bb0.reshape(-1, 1), bw1.T, bb1.reshape(-1, 1),
        bw2.T, bb2.reshape(-1, 1),
        tw0[:D].T, jnp.pad(tw0[D:D + NPAIR], ((0, 1), (0, 0))).T,
        tb0.reshape(-1, 1), tw1.T, tb1.reshape(-1, 1), tw2.T,
        tb2.reshape(-1, 1), tw3.T, tb3.reshape(-1, 1), tw4.T,
        tb4.reshape(-1, 1))
    return outT.T

# --- scband reference (transcript-rebuilt; emitter-appended) ---
"""Pipeline reference for scband-dlrm-11544872092298 (READ-ONLY COPY).

The authoritative reference and input builder live on the scoring server;
editing this copy changes nothing except your own understanding.
"""

import jax, jax.numpy as jnp
import numpy as np

B = 16384
NUM = 13
F = 26
V = 100000
D = 32
BOT = [512, 256, 32]
TOP = [1024, 1024, 512, 256, 1]
TOP_IN = D + (F + 1) * F // 2 + 1  # 32 + 351 + 1(pad) = 384


def setup_inputs(seed: int = 0) -> dict:
    key = jax.random.key(seed)
    ks = jax.random.split(key, 32)
    inp = {}
    inp["numerical_input"] = jax.random.normal(ks[0], (B, NUM), dtype=jnp.float32)
    inp["categorical_inputs"] = jax.random.randint(ks[1], (B, F), 0, V, dtype=jnp.int32).astype(jnp.int64)
    # 26 embedding tables, all [V, D], stacked into one array
    inp["emb_tables"] = jax.random.normal(ks[2], (F, V, D), dtype=jnp.float32) * 0.01
    # bottom MLP weights: 13 -> 512 -> 256 -> 32
    dims_b = [NUM] + BOT
    for i in range(len(BOT)):
        fan_in = dims_b[i]
        inp[f"bw{i}"] = jax.random.normal(ks[3 + i], (dims_b[i], dims_b[i + 1]), dtype=jnp.float32) / np.sqrt(fan_in)
        inp[f"bb{i}"] = jnp.zeros((dims_b[i + 1],), dtype=jnp.float32)
    # top MLP weights: 384 -> 1024 -> 1024 -> 512 -> 256 -> 1
    dims_t = [TOP_IN] + TOP
    for i in range(len(TOP)):
        fan_in = dims_t[i]
        inp[f"tw{i}"] = jax.random.normal(ks[10 + i], (dims_t[i], dims_t[i + 1]), dtype=jnp.float32) / np.sqrt(fan_in)
        inp[f"tb{i}"] = jnp.zeros((dims_t[i + 1],), dtype=jnp.float32)
    return inp


def reference(numerical_input, categorical_inputs, emb_tables,
              bw0, bb0, bw1, bb1, bw2, bb2,
              tw0, tb0, tw1, tb1, tw2, tb2, tw3, tb3, tw4, tb4):
    # ---- bottom MLP on dense features ----
    x = numerical_input
    x = jax.nn.relu(x @ bw0 + bb0)
    x = jax.nn.relu(x @ bw1 + bb1)
    x = jax.nn.relu(x @ bw2 + bb2)
    bottom_mlp_output = x  # [B, D]
    # ---- embedding lookups (multi_table) ----
    field_idx = jnp.arange(F)[None, :]              # [1, F]
    embs = emb_tables[field_idx, categorical_inputs]  # [B, F, D] gather
    # ---- dot interaction ----
    T = jnp.concatenate([bottom_mlp_output[:, None, :], embs], axis=1)  # [B, F+1, D]
    Z = jnp.einsum('bnd,bmd->bnm', T, T)  # [B, F+1, F+1]
    li, lj = np.tril_indices(F + 1, -1)
    Zflat = Z[:, li, lj]  # [B, 351]
    pad = jnp.zeros((Z.shape[0], 1), dtype=Z.dtype)
    top_in = jnp.concatenate([bottom_mlp_output, Zflat, pad], axis=1)  # [B, 384]
    # ---- top MLP ----
    h = jax.nn.relu(top_in @ tw0 + tb0)
    h = jax.nn.relu(h @ tw1 + tb1)
    h = jax.nn.relu(h @ tw2 + tb2)
    h = jax.nn.relu(h @ tw3 + tb3)
    out = h @ tw4 + tb4  # [B, 1] logits
    return out

if __name__ == "__main__":
    import jax
    _d = setup_inputs()
    print(jax.jit(kernel)(*tuple(_d.values())))

</pallas_src>

<mosaic_0001>
#map = affine_map<(d0, d1) -> (0, 0)>
#map1 = affine_map<(d0, d1) -> (0, 0, 0)>
module attributes {stable_mosaic.version = 14 : i64} {
  func.func @_sc_gather_body(%arg0: i32, %arg1: i32, %arg2: memref<2600000x32xf32, #tpu.memory_space<hbm>>, %arg3: memref<32x104x128xi32, #tpu.memory_space<hbm>>, %arg4: memref<425984x32xf32, #tpu.memory_space<hbm>>, %arg5: memref<104x128xi32, #tpu.memory_space<vmem>>, %arg6: memref<128x32xf32, #tpu.memory_space<vmem>>, %arg7: memref<128x32xf32, #tpu.memory_space<vmem>>, %arg8: memref<!tpu.dma_semaphore, #tpu.memory_space<semaphore_mem>>, %arg9: memref<!tpu.dma_semaphore, #tpu.memory_space<semaphore_mem>>) attributes {dimension_semantics = [#tpu.dimension_semantics<core_parallel>, #tpu.dimension_semantics<subcore_parallel>], iteration_bounds = array<i64: 2, 16>, scalar_prefetch = 0 : i64, scratch_operands = 5 : i64, tpu.core_type = #tpu.core_type<sc_vector_subcore>, window_params = [{transform_indices = #map}, {transform_indices = #map1}, {transform_indices = #map}]} {
    %mul3A = arith.constant 2 : i32
    %mul3A_0 = arith.muli %arg1, %mul3A : i32
    %add3A = arith.addi %mul3A_0, %arg0 : i32
    %mul3A_1 = arith.constant 104 : i32
    %mul3A_2 = arith.muli %add3A, %mul3A_1 : i32
    "tpu.region"() ({
      %run_scoped3A = tpu.sem_alloc : memref<!tpu.dma_semaphore, #tpu.memory_space<semaphore_mem>>
      %dma_start3A_14 = arith.constant 0 : i32
      %dma_start3A_15 = arith.constant 0 : i32
      %dma_start3A_16 = tpu.memref_slice %arg3[%add3A, %dma_start3A_14, %dma_start3A_15] : memref<32x104x128xi32, #tpu.memory_space<hbm>> -> memref<1x104x128xi32, #tpu.memory_space<hbm>>
      %dma_start3A_17 = tpu.memref_squeeze %dma_start3A_16 : memref<1x104x128xi32, #tpu.memory_space<hbm>> -> memref<104x128xi32, #tpu.memory_space<hbm>>
      %dma_start3A_18 = arith.constant 0 : i32
      %dma_start3A_19 = arith.constant 0 : i32
      %dma_start3A_20 = tpu.memref_slice %arg3[%add3A, %dma_start3A_18, %dma_start3A_19] : memref<32x104x128xi32, #tpu.memory_space<hbm>> -> memref<1x104x128xi32, #tpu.memory_space<hbm>>
      %dma_start3A_21 = tpu.memref_squeeze %dma_start3A_20 : memref<1x104x128xi32, #tpu.memory_space<hbm>> -> memref<104x128xi32, #tpu.memory_space<hbm>>
      tpu.enqueue_dma source(%dma_start3A_21 : memref<104x128xi32, #tpu.memory_space<hbm>>) target(%arg5 : memref<104x128xi32, #tpu.memory_space<vmem>>) target_semaphore(%run_scoped3A : memref<!tpu.dma_semaphore, #tpu.memory_space<semaphore_mem>>)
      %dma_wait3A = arith.constant 0 : i32
      %dma_wait3A_22 = arith.constant 0 : i32
      %dma_wait3A_23 = tpu.memref_slice %arg3[%add3A, %dma_wait3A, %dma_wait3A_22] : memref<32x104x128xi32, #tpu.memory_space<hbm>> -> memref<1x104x128xi32, #tpu.memory_space<hbm>>
      %dma_wait3A_24 = tpu.memref_squeeze %dma_wait3A_23 : memref<1x104x128xi32, #tpu.memory_space<hbm>> -> memref<104x128xi32, #tpu.memory_space<hbm>>
      %dma_wait3A_25 = arith.constant 0 : i32
      %dma_wait3A_26 = arith.constant 0 : i32
      %dma_wait3A_27 = tpu.memref_slice %arg3[%add3A, %dma_wait3A_25, %dma_wait3A_26] : memref<32x104x128xi32, #tpu.memory_space<hbm>> -> memref<1x104x128xi32, #tpu.memory_space<hbm>>
      %dma_wait3A_28 = tpu.memref_squeeze %dma_wait3A_27 : memref<1x104x128xi32, #tpu.memory_space<hbm>> -> memref<104x128xi32, #tpu.memory_space<hbm>>
      tpu.wait_dma2 semaphore(%run_scoped3A : memref<!tpu.dma_semaphore, #tpu.memory_space<semaphore_mem>>) src(%dma_wait3A_28 : memref<104x128xi32, #tpu.memory_space<hbm>>) dst(%arg5 : memref<104x128xi32, #tpu.memory_space<vmem>>)
      tpu.yield
    }) : () -> ()
    %dma_start3A = arith.constant 0 : i32
    %dma_start3A_3 = arith.constant 0 : i32
    %dma_start3A_4 = tpu.memref_slice %arg5[%dma_start3A, %dma_start3A_3] : memref<104x128xi32, #tpu.memory_space<vmem>> -> memref<1x128xi32, #tpu.memory_space<vmem>>
    %dma_start3A_5 = tpu.memref_squeeze %dma_start3A_4 : memref<1x128xi32, #tpu.memory_space<vmem>> -> memref<128xi32, #tpu.memory_space<vmem>>
    %dma_start3A_6 = arith.constant 0 : i32
    %dma_start3A_7 = arith.constant 0 : i32
    %dma_start3A_8 = tpu.memref_slice %arg2[%dma_start3A_6, %dma_start3A_7] : memref<2600000x32xf32, #tpu.memory_space<hbm>> -> memref<2600000x32xf32, #tpu.memory_space<hbm>>
    tpu.enqueue_indirect_dma source(%dma_start3A_8 : memref<2600000x32xf32, #tpu.memory_space<hbm>>) target(%arg6 : memref<128x32xf32, #tpu.memory_space<vmem>>) offsets(%dma_start3A_5 : memref<128xi32, #tpu.memory_space<vmem>>) semaphore(%arg8 : memref<!tpu.dma_semaphore, #tpu.memory_space<semaphore_mem>>)
    %scan3A = arith.constant 0 : i32
    %scan3A_9 = arith.constant 0 : i32
    %scan3A_10 = arith.constant 52 : i32
    %scan3A_11 = arith.addi %scan3A_9, %scan3A_10 : i32
    %scan3A_12 = arith.constant 1 : i32
    scf.for %scan3A_14 = %scan3A_9 to %scan3A_11 step %scan3A_12  : i32 {
      %mul3A_15 = arith.constant 2 : i32
      %mul3A_16 = arith.muli %mul3A_15, %scan3A_14 : i32
      %add3A_17 = arith.constant 1 : i32
      %add3A_18 = arith.addi %mul3A_16, %add3A_17 : i32
      %dma_start3A_19 = arith.constant 0 : i32
      %dma_start3A_20 = tpu.memref_slice %arg5[%add3A_18, %dma_start3A_19] : memref<104x128xi32, #tpu.memory_space<vmem>> -> memref<1x128xi32, #tpu.memory_space<vmem>>
      %dma_start3A_21 = tpu.memref_squeeze %dma_start3A_20 : memref<1x128xi32, #tpu.memory_space<vmem>> -> memref<128xi32, #tpu.memory_space<vmem>>
      %dma_start3A_22 = arith.constant 0 : i32
      %dma_start3A_23 = arith.constant 0 : i32
      %dma_start3A_24 = tpu.memref_slice %arg2[%dma_start3A_22, %dma_start3A_23] : memref<2600000x32xf32, #tpu.memory_space<hbm>> -> memref<2600000x32xf32, #tpu.memory_space<hbm>>
      tpu.enqueue_indirect_dma source(%dma_start3A_24 : memref<2600000x32xf32, #tpu.memory_space<hbm>>) target(%arg7 : memref<128x32xf32, #tpu.memory_space<vmem>>) offsets(%dma_start3A_21 : memref<128xi32, #tpu.memory_space<vmem>>) semaphore(%arg9 : memref<!tpu.dma_semaphore, #tpu.memory_space<semaphore_mem>>)
      %dma_wait3A = arith.constant 0 : i32
      %dma_wait3A_25 = tpu.memref_slice %arg5[%mul3A_16, %dma_wait3A] : memref<104x128xi32, #tpu.memory_space<vmem>> -> memref<1x128xi32, #tpu.memory_space<vmem>>
      %dma_wait3A_26 = tpu.memref_squeeze %dma_wait3A_25 : memref<1x128xi32, #tpu.memory_space<vmem>> -> memref<128xi32, #tpu.memory_space<vmem>>
      %dma_wait3A_27 = arith.constant 0 : i32
      %dma_wait3A_28 = arith.constant 0 : i32
      %dma_wait3A_29 = tpu.memref_slice %arg2[%dma_wait3A_27, %dma_wait3A_28] : memref<2600000x32xf32, #tpu.memory_space<hbm>> -> memref<2600000x32xf32, #tpu.memory_space<hbm>>
      tpu.wait_indirect_dma semaphore(%arg8 : memref<!tpu.dma_semaphore, #tpu.memory_space<semaphore_mem>>) src(%dma_wait3A_29 : memref<2600000x32xf32, #tpu.memory_space<hbm>>) dst(%arg6 : memref<128x32xf32, #tpu.memory_space<vmem>>)
      %add3A_30 = arith.addi %mul3A_2, %mul3A_16 : i32
      %mul3A_31 = arith.constant 128 : i32
      %mul3A_32 = arith.muli %add3A_30, %mul3A_31 : i32
      "tpu.region"() ({
        %run_scoped3A = tpu.sem_alloc : memref<!tpu.dma_semaphore, #tpu.memory_space<semaphore_mem>>
        %dma_start3A_48 = arith.constant 0 : i32
        %dma_start3A_49 = tpu.memref_slice %arg4[%mul3A_32, %dma_start3A_48] : memref<425984x32xf32, #tpu.memory_space<hbm>> -> memref<128x32xf32, #tpu.memory_space<hbm>>
        %dma_start3A_50 = arith.constant 0 : i32
        %dma_start3A_51 = tpu.memref_slice %arg4[%mul3A_32, %dma_start3A_50] : memref<425984x32xf32, #tpu.memory_space<hbm>> -> memref<128x32xf32, #tpu.memory_space<hbm>>
        tpu.enqueue_dma source(%arg6 : memref<128x32xf32, #tpu.memory_space<vmem>>) target(%dma_start3A_51 : memref<128x32xf32, #tpu.memory_space<hbm>>) target_semaphore(%run_scoped3A : memref<!tpu.dma_semaphore, #tpu.memory_space<semaphore_mem>>)
        %dma_wait3A_52 = arith.constant 0 : i32
        %dma_wait3A_53 = tpu.memref_slice %arg4[%mul3A_32, %dma_wait3A_52] : memref<425984x32xf32, #tpu.memory_space<hbm>> -> memref<128x32xf32, #tpu.memory_space<hbm>>
        %dma_wait3A_54 = arith.constant 0 : i32
        %dma_wait3A_55 = tpu.memref_slice %arg4[%mul3A_32, %dma_wait3A_54] : memref<425984x32xf32, #tpu.memory_space<hbm>> -> memref<128x32xf32, #tpu.memory_space<hbm>>
        tpu.wait_dma2 semaphore(%run_scoped3A : memref<!tpu.dma_semaphore, #tpu.memory_space<semaphore_mem>>) src(%arg6 : memref<128x32xf32, #tpu.memory_space<vmem>>) dst(%dma_wait3A_55 : memref<128x32xf32, #tpu.memory_space<hbm>>)
        tpu.yield
      }) : () -> ()
      %add3A_33 = arith.constant 2 : i32
      %add3A_34 = arith.addi %mul3A_16, %add3A_33 : i32
      %lt3A = arith.constant 104 : i32
      %lt3A_35 = arith.cmpi slt, %add3A_34, %lt3A : i32
      %convert_element_type3A = arith.extui %lt3A_35 : i1 to i32
      %cond3A = arith.constant 0 : i32
      %cond3A_36 = arith.cmpi ne, %convert_element_type3A, %cond3A : i32
      scf.if %cond3A_36 {
        %add3A_48 = arith.constant 2 : i32
        %add3A_49 = arith.addi %mul3A_16, %add3A_48 : i32
        %dma_start3A_50 = arith.constant 0 : i32
        %dma_start3A_51 = tpu.memref_slice %arg5[%add3A_49, %dma_start3A_50] : memref<104x128xi32, #tpu.memory_space<vmem>> -> memref<1x128xi32, #tpu.memory_space<vmem>>
        %dma_start3A_52 = tpu.memref_squeeze %dma_start3A_51 : memref<1x128xi32, #tpu.memory_space<vmem>> -> memref<128xi32, #tpu.memory_space<vmem>>
        %dma_start3A_53 = arith.constant 0 : i32
        %dma_start3A_54 = arith.constant 0 : i32
        %dma_start3A_55 = tpu.memref_slice %arg2[%dma_start3A_53, %dma_start3A_54] : memref<2600000x32xf32, #tpu.memory_space<hbm>> -> memref<2600000x32xf32, #tpu.memory_space<hbm>>
        tpu.enqueue_indirect_dma source(%dma_start3A_55 : memref<2600000x32xf32, #tpu.memory_space<hbm>>) target(%arg6 : memref<128x32xf32, #tpu.memory_space<vmem>>) offsets(%dma_start3A_52 : memref<128xi32, #tpu.memory_space<vmem>>) semaphore(%arg8 : memref<!tpu.dma_semaphore, #tpu.memory_space<semaphore_mem>>)
      } else {
      }
      %add3A_37 = arith.constant 1 : i32
      %add3A_38 = arith.addi %mul3A_16, %add3A_37 : i32
      %dma_wait3A_39 = arith.constant 0 : i32
      %dma_wait3A_40 = tpu.memref_slice %arg5[%add3A_38, %dma_wait3A_39] : memref<104x128xi32, #tpu.memory_space<vmem>> -> memref<1x128xi32, #tpu.memory_space<vmem>>
      %dma_wait3A_41 = tpu.memref_squeeze %dma_wait3A_40 : memref<1x128xi32, #tpu.memory_space<vmem>> -> memref<128xi32, #tpu.memory_space<vmem>>
      %dma_wait3A_42 = arith.constant 0 : i32
      %dma_wait3A_43 = arith.constant 0 : i32
      %dma_wait3A_44 = tpu.memref_slice %arg2[%dma_wait3A_42, %dma_wait3A_43] : memref<2600000x32xf32, #tpu.memory_space<hbm>> -> memref<2600000x32xf32, #tpu.memory_space<hbm>>
      tpu.wait_indirect_dma semaphore(%arg9 : memref<!tpu.dma_semaphore, #tpu.memory_space<semaphore_mem>>) src(%dma_wait3A_44 : memref<2600000x32xf32, #tpu.memory_space<hbm>>) dst(%arg7 : memref<128x32xf32, #tpu.memory_space<vmem>>)
      %add3A_45 = arith.addi %mul3A_2, %add3A_38 : i32
      %mul3A_46 = arith.constant 128 : i32
      %mul3A_47 = arith.muli %add3A_45, %mul3A_46 : i32
      "tpu.region"() ({
        %run_scoped3A = tpu.sem_alloc : memref<!tpu.dma_semaphore, #tpu.memory_space<semaphore_mem>>
        %dma_start3A_48 = arith.constant 0 : i32
        %dma_start3A_49 = tpu.memref_slice %arg4[%mul3A_47, %dma_start3A_48] : memref<425984x32xf32, #tpu.memory_space<hbm>> -> memref<128x32xf32, #tpu.memory_space<hbm>>
        %dma_start3A_50 = arith.constant 0 : i32
        %dma_start3A_51 = tpu.memref_slice %arg4[%mul3A_47, %dma_start3A_50] : memref<425984x32xf32, #tpu.memory_space<hbm>> -> memref<128x32xf32, #tpu.memory_space<hbm>>
        tpu.enqueue_dma source(%arg7 : memref<128x32xf32, #tpu.memory_space<vmem>>) target(%dma_start3A_51 : memref<128x32xf32, #tpu.memory_space<hbm>>) target_semaphore(%run_scoped3A : memref<!tpu.dma_semaphore, #tpu.memory_space<semaphore_mem>>)
        %dma_wait3A_52 = arith.constant 0 : i32
        %dma_wait3A_53 = tpu.memref_slice %arg4[%mul3A_47, %dma_wait3A_52] : memref<425984x32xf32, #tpu.memory_space<hbm>> -> memref<128x32xf32, #tpu.memory_space<hbm>>
        %dma_wait3A_54 = arith.constant 0 : i32
        %dma_wait3A_55 = tpu.memref_slice %arg4[%mul3A_47, %dma_wait3A_54] : memref<425984x32xf32, #tpu.memory_space<hbm>> -> memref<128x32xf32, #tpu.memory_space<hbm>>
        tpu.wait_dma2 semaphore(%run_scoped3A : memref<!tpu.dma_semaphore, #tpu.memory_space<semaphore_mem>>) src(%arg7 : memref<128x32xf32, #tpu.memory_space<vmem>>) dst(%dma_wait3A_55 : memref<128x32xf32, #tpu.memory_space<hbm>>)
        tpu.yield
      }) : () -> ()
    }
    %scan3A_13 = arith.constant 52 : i32
    return
  }
}

module attributes {stable_mosaic.version = 14 : i64} {
  func.func @_tc_body(%arg0: i32, %arg1: memref<13x512xf32, #tpu.memory_space<vmem>>, %arg2: memref<512x832xf32, #tpu.memory_space<vmem>>, %arg3: memref<512x13xf32, #tpu.memory_space<vmem>>, %arg4: memref<512x1xf32, #tpu.memory_space<vmem>>, %arg5: memref<256x512xf32, #tpu.memory_space<vmem>>, %arg6: memref<256x1xf32, #tpu.memory_space<vmem>>, %arg7: memref<32x256xf32, #tpu.memory_space<vmem>>, %arg8: memref<32x1xf32, #tpu.memory_space<vmem>>, %arg9: memref<1024x32xf32, #tpu.memory_space<vmem>>, %arg10: memref<1024x352xf32, #tpu.memory_space<vmem>>, %arg11: memref<1024x1xf32, #tpu.memory_space<vmem>>, %arg12: memref<1024x1024xf32, #tpu.memory_space<vmem>>, %arg13: memref<1024x1xf32, #tpu.memory_space<vmem>>, %arg14: memref<512x1024xf32, #tpu.memory_space<vmem>>, %arg15: memref<512x1xf32, #tpu.memory_space<vmem>>, %arg16: memref<256x512xf32, #tpu.memory_space<vmem>>, %arg17: memref<256x1xf32, #tpu.memory_space<vmem>>, %arg18: memref<1x256xf32, #tpu.memory_space<vmem>>, %arg19: memref<1x1xf32, #tpu.memory_space<vmem>>, %arg20: memref<1x512xf32, #tpu.memory_space<vmem>>, %arg21: memref<352x512xf32, #tpu.memory_space<vmem>>) attributes {dimension_semantics = [#tpu.dimension_semantics<arbitrary>], iteration_bounds = array<i64: 32>, scalar_prefetch = 0 : i64, scratch_operands = 1 : i64, tpu.core_type = #tpu.core_type<tc>, window_params = [{transform_indices = @transform_0, window_bounds = array<i64: 13, 512>}, {transform_indices = @transform_1, window_bounds = array<i64: 512, 832>}, {pipeline_mode = #tpu.pipeline_mode<synchronous>, transform_indices = @transform_2, window_bounds = array<i64: 512, 13>}, {pipeline_mode = #tpu.pipeline_mode<synchronous>, transform_indices = @transform_3, window_bounds = array<i64: 512, 1>}, {pipeline_mode = #tpu.pipeline_mode<synchronous>, transform_indices = @transform_4, window_bounds = array<i64: 256, 512>}, {pipeline_mode = #tpu.pipeline_mode<synchronous>, transform_indices = @transform_5, window_bounds = array<i64: 256, 1>}, {pipeline_mode = #tpu.pipeline_mode<synchronous>, transform_indices = @transform_6, window_bounds = array<i64: 32, 256>}, {pipeline_mode = #tpu.pipeline_mode<synchronous>, transform_indices = @transform_7, window_bounds = array<i64: 32, 1>}, {pipeline_mode = #tpu.pipeline_mode<synchronous>, transform_indices = @transform_8, window_bounds = array<i64: 1024, 32>}, {pipeline_mode = #tpu.pipeline_mode<synchronous>, transform_indices = @transform_9, window_bounds = array<i64: 1024, 352>}, {pipeline_mode = #tpu.pipeline_mode<synchronous>, transform_indices = @transform_10, window_bounds = array<i64: 1024, 1>}, {pipeline_mode = #tpu.pipeline_mode<synchronous>, transform_indices = @transform_11, window_bounds = array<i64: 1024, 1024>}, {pipeline_mode = #tpu.pipeline_mode<synchronous>, transform_indices = @transform_12, window_bounds = array<i64: 1024, 1>}, {pipeline_mode = #tpu.pipeline_mode<synchronous>, transform_indices = @transform_13, window_bounds = array<i64: 512, 1024>}, {pipeline_mode = #tpu.pipeline_mode<synchronous>, transform_indices = @transform_14, window_bounds = array<i64: 512, 1>}, {pipeline_mode = #tpu.pipeline_mode<synchronous>, transform_indices = @transform_15, window_bounds = array<i64: 256, 512>}, {pipeline_mode = #tpu.pipeline_mode<synchronous>, transform_indices = @transform_16, window_bounds = array<i64: 256, 1>}, {pipeline_mode = #tpu.pipeline_mode<synchronous>, transform_indices = @transform_17, window_bounds = array<i64: 1, 256>}, {pipeline_mode = #tpu.pipeline_mode<synchronous>, transform_indices = @transform_18, window_bounds = array<i64: 1, 1>}, {transform_indices = @transform_19, window_bounds = array<i64: 1, 512>}]} {
    %get3A = arith.constant 0 : index
    %get3A_0 = arith.constant 0 : index
    %get3A_1 = vector.load %arg1[%get3A, %get3A_0] : memref<13x512xf32, #tpu.memory_space<vmem>>, vector<13x512xf32>
    %get3A_2 = arith.constant 0 : index
    %get3A_3 = arith.constant 0 : index
    %get3A_4 = vector.load %arg3[%get3A_2, %get3A_3] : memref<512x13xf32, #tpu.memory_space<vmem>>, vector<512x13xf32>
    %dot_general3A = arith.constant dense<0.000000e+00> : vector<512x512xf32>
    %dot_general3A_5 = tpu.matmul %get3A_4, %get3A_1, %dot_general3A {dimension_numbers = #tpu.dot_dimension_numbers<[1], [0], [0], [1], [0, 0, 1, 1], [], []>, transpose_lhs_hint = false} : vector<512x13xf32>, vector<13x512xf32>, vector<512x512xf32> -> vector<512x512xf32>
    %get3A_6 = arith.constant 0 : index
    %get3A_7 = arith.constant 0 : index
    %get3A_8 = vector.load %arg4[%get3A_6, %get3A_7] : memref<512x1xf32, #tpu.memory_space<vmem>>, vector<512x1xf32>
    %add3A = vector.broadcast %get3A_8 : vector<512x1xf32> to vector<512x512xf32>
    %add3A_9 = arith.addf %dot_general3A_5, %add3A : vector<512x512xf32>
    %max3A = arith.constant 0.000000e+00 : f32
    %max3A_10 = vector.broadcast %max3A : f32 to vector<512x512xf32>
    %max3A_11 = arith.maximumf %add3A_9, %max3A_10 : vector<512x512xf32>
    %get3A_12 = arith.constant 0 : index
    %get3A_13 = arith.constant 0 : index
    %get3A_14 = vector.load %arg5[%get3A_12, %get3A_13] : memref<256x512xf32, #tpu.memory_space<vmem>>, vector<256x512xf32>
    %dot_general3A_15 = arith.constant dense<0.000000e+00> : vector<256x512xf32>
    %dot_general3A_16 = tpu.matmul %get3A_14, %max3A_11, %dot_general3A_15 {dimension_numbers = #tpu.dot_dimension_numbers<[1], [0], [0], [1], [0, 0, 1, 1], [], []>, transpose_lhs_hint = false} : vector<256x512xf32>, vector<512x512xf32>, vector<256x512xf32> -> vector<256x512xf32>
    %get3A_17 = arith.constant 0 : index
    %get3A_18 = arith.constant 0 : index
    %get3A_19 = vector.load %arg6[%get3A_17, %get3A_18] : memref<256x1xf32, #tpu.memory_space<vmem>>, vector<256x1xf32>
    %add3A_20 = vector.broadcast %get3A_19 : vector<256x1xf32> to vector<256x512xf32>
    %add3A_21 = arith.addf %dot_general3A_16, %add3A_20 : vector<256x512xf32>
    %max3A_22 = arith.constant 0.000000e+00 : f32
    %max3A_23 = vector.broadcast %max3A_22 : f32 to vector<256x512xf32>
    %max3A_24 = arith.maximumf %add3A_21, %max3A_23 : vector<256x512xf32>
    %get3A_25 = arith.constant 0 : index
    %get3A_26 = arith.constant 0 : index
    %get3A_27 = vector.load %arg7[%get3A_25, %get3A_26] : memref<32x256xf32, #tpu.memory_space<vmem>>, vector<32x256xf32>
    %dot_general3A_28 = arith.constant dense<0.000000e+00> : vector<32x512xf32>
    %dot_general3A_29 = tpu.matmul %get3A_27, %max3A_24, %dot_general3A_28 {dimension_numbers = #tpu.dot_dimension_numbers<[1], [0], [0], [1], [0, 0, 1, 1], [], []>, transpose_lhs_hint = false} : vector<32x256xf32>, vector<256x512xf32>, vector<32x512xf32> -> vector<32x512xf32>
    %get3A_30 = arith.constant 0 : index
    %get3A_31 = arith.constant 0 : index
    %get3A_32 = vector.load %arg8[%get3A_30, %get3A_31] : memref<32x1xf32, #tpu.memory_space<vmem>>, vector<32x1xf32>
    %add3A_33 = vector.broadcast %get3A_32 : vector<32x1xf32> to vector<32x512xf32>
    %add3A_34 = arith.addf %dot_general3A_29, %add3A_33 : vector<32x512xf32>
    %max3A_35 = arith.constant 0.000000e+00 : f32
    %max3A_36 = vector.broadcast %max3A_35 : f32 to vector<32x512xf32>
    %max3A_37 = arith.maximumf %add3A_34, %max3A_36 : vector<32x512xf32>
    %get3A_38 = arith.constant 0 : index
    %get3A_39 = arith.constant 0 : index
    %get3A_40 = vector.load %arg2[%get3A_38, %get3A_39] : memref<512x832xf32, #tpu.memory_space<vmem>>, vector<512x832xf32>
    %transpose3A = tpu.transpose %get3A_40, [1, 0] : vector<512x832xf32> -> vector<832x512xf32>
    %concatenate3A = tpu.concatenate %max3A_37, %transpose3A in 0 : vector<32x512xf32>, vector<832x512xf32> -> vector<864x512xf32>
    %convert_element_type3A = arith.truncf %concatenate3A : vector<864x512xf32> to vector<864x512xbf16>
    %convert_element_type3A_41 = arith.extf %convert_element_type3A : vector<864x512xbf16> to vector<864x512xf32>
    %slice3A = vector.extract_strided_slice %convert_element_type3A_41 {offsets = [32, 0], sizes = [32, 512], strides = [1, 1]} : vector<864x512xf32> to vector<32x512xf32>
    %slice3A_42 = vector.extract_strided_slice %convert_element_type3A_41 {offsets = [0, 0], sizes = [32, 512], strides = [1, 1]} : vector<864x512xf32> to vector<32x512xf32>
    %reshape3A = vector.shape_cast %slice3A_42 : vector<32x512xf32> to vector<1x32x512xf32>
    %broadcast_in_dim3A = vector.shape_cast %slice3A : vector<32x512xf32> to vector<1x32x512xf32>
    %mul3A = arith.mulf %reshape3A, %broadcast_in_dim3A : vector<1x32x512xf32>
    %reduce_sum3A = arith.constant dense<0.000000e+00> : vector<1x512xf32>
    %reduce_sum3A_43 = vector.multi_reduction <add>, %mul3A, %reduce_sum3A [1] : vector<1x32x512xf32> to vector<1x512xf32>
    %swap3A = arith.constant 0 : index
    %swap3A_44 = arith.constant 0 : index
    %swap3A_45 = vector.load %arg21[%swap3A, %swap3A_44] : memref<352x512xf32, #tpu.memory_space<vmem>>, vector<1x512xf32>
    tpu.vector_store %arg21[%swap3A, %swap3A_44], %reduce_sum3A_43 {strides = array<i32>} : memref<352x512xf32, #tpu.memory_space<vmem>>, vector<1x512xf32>,
    %slice3A_46 = vector.extract_strided_slice %convert_element_type3A_41 {offsets = [64, 0], sizes = [32, 512], strides = [1, 1]} : vector<864x512xf32> to vector<32x512xf32>
    %slice3A_47 = vector.extract_strided_slice %convert_element_type3A_41 {offsets = [0, 0], sizes = [64, 512], strides = [1, 1]} : vector<864x512xf32> to vector<64x512xf32>
    %reshape3A_48 = vector.shape_cast %slice3A_47 : vector<64x512xf32> to vector<2x32x512xf32>
    %broadcast_in_dim3A_49 = vector.shape_cast %slice3A_46 : vector<32x512xf32> to vector<1x32x512xf32>
    %mul3A_50 = vector.broadcast %broadcast_in_dim3A_49 : vector<1x32x512xf32> to vector<2x32x512xf32>
    %mul3A_51 = arith.mulf %reshape3A_48, %mul3A_50 : vector<2x32x512xf32>
    %reduce_sum3A_52 = arith.constant dense<0.000000e+00> : vector<2x512xf32>
    %reduce_sum3A_53 = vector.multi_reduction <add>, %mul3A_51, %reduce_sum3A_52 [1] : vector<2x32x512xf32> to vector<2x512xf32>
    %swap3A_54 = arith.constant 1 : index
    %swap3A_55 = arith.constant 0 : index
    %swap3A_56 = vector.load %arg21[%swap3A_54, %swap3A_55] : memref<352x512xf32, #tpu.memory_space<vmem>>, vector<2x512xf32>
    tpu.vector_store %arg21[%swap3A_54, %swap3A_55], %reduce_sum3A_53 {strides = array<i32>} : memref<352x512xf32, #tpu.memory_space<vmem>>, vector<2x512xf32>,
    %slice3A_57 = vector.extract_strided_slice %convert_element_type3A_41 {offsets = [96, 0], sizes = [32, 512], strides = [1, 1]} : vector<864x512xf32> to vector<32x512xf32>
    %slice3A_58 = vector.extract_strided_slice %convert_element_type3A_41 {offsets = [0, 0], sizes = [96, 512], strides = [1, 1]} : vector<864x512xf32> to vector<96x512xf32>
    %reshape3A_59 = vector.shape_cast %slice3A_58 : vector<96x512xf32> to vector<3x32x512xf32>
    %broadcast_in_dim3A_60 = vector.shape_cast %slice3A_57 : vector<32x512xf32> to vector<1x32x512xf32>
    %mul3A_61 = vector.broadcast %broadcast_in_dim3A_60 : vector<1x32x512xf32> to vector<3x32x512xf32>
    %mul3A_62 = arith.mulf %reshape3A_59, %mul3A_61 : vector<3x32x512xf32>
    %reduce_sum3A_63 = arith.constant dense<0.000000e+00> : vector<3x512xf32>
    %reduce_sum3A_64 = vector.multi_reduction <add>, %mul3A_62, %reduce_sum3A_63 [1] : vector<3x32x512xf32> to vector<3x512xf32>
    %swap3A_65 = arith.constant 3 : index
    %swap3A_66 = arith.constant 0 : index
    %swap3A_67 = vector.load %arg21[%swap3A_65, %swap3A_66] : memref<352x512xf32, #tpu.memory_space<vmem>>, vector<3x512xf32>
    tpu.vector_store %arg21[%swap3A_65, %swap3A_66], %reduce_sum3A_64 {strides = array<i32>} : memref<352x512xf32, #tpu.memory_space<vmem>>, vector<3x512xf32>,
    %slice3A_68 = vector.extract_strided_slice %convert_element_type3A_41 {offsets = [128, 0], sizes = [32, 512], strides = [1, 1]} : vector<864x512xf32> to vector<32x512xf32>
    %slice3A_69 = vector.extract_strided_slice %convert_element_type3A_41 {offsets = [0, 0], sizes = [128, 512], strides = [1, 1]} : vector<864x512xf32> to vector<128x512xf32>
    %reshape3A_70 = vector.shape_cast %slice3A_69 : vector<128x512xf32> to vector<4x32x512xf32>
    %broadcast_in_dim3A_71 = vector.shape_cast %slice3A_68 : vector<32x512xf32> to vector<1x32x512xf32>
    %mul3A_72 = vector.broadcast %broadcast_in_dim3A_71 : vector<1x32x512xf32> to vector<4x32x512xf32>
    %mul3A_73 = arith.mulf %reshape3A_70, %mul3A_72 : vector<4x32x512xf32>
    %reduce_sum3A_74 = arith.constant dense<0.000000e+00> : vector<4x512xf32>
    %reduce_sum3A_75 = vector.multi_reduction <add>, %mul3A_73, %reduce_sum3A_74 [1] : vector<4x32x512xf32> to vector<4x512xf32>
    %swap3A_76 = arith.constant 6 : index
    %swap3A_77 = arith.constant 0 : index
    %swap3A_78 = vector.load %arg21[%swap3A_76, %swap3A_77] : memref<352x512xf32, #tpu.memory_space<vmem>>, vector<4x512xf32>
    tpu.vector_store %arg21[%swap3A_76, %swap3A_77], %reduce_sum3A_75 {strides = array<i32>} : memref<352x512xf32, #tpu.memory_space<vmem>>, vector<4x512xf32>,
    %slice3A_79 = vector.extract_strided_slice %convert_element_type3A_41 {offsets = [160, 0], sizes = [32, 512], strides = [1, 1]} : vector<864x512xf32> to vector<32x512xf32>
    %slice3A_80 = vector.extract_strided_slice %convert_element_type3A_41 {offsets = [0, 0], sizes = [160, 512], strides = [1, 1]} : vector<864x512xf32> to vector<160x512xf32>
    %reshape3A_81 = vector.shape_cast %slice3A_80 : vector<160x512xf32> to vector<5x32x512xf32>
    %broadcast_in_dim3A_82 = vector.shape_cast %slice3A_79 : vector<32x512xf32> to vector<1x32x512xf32>
    %mul3A_83 = vector.broadcast %broadcast_in_dim3A_82 : vector<1x32x512xf32> to vector<5x32x512xf32>
    %mul3A_84 = arith.mulf %reshape3A_81, %mul3A_83 : vector<5x32x512xf32>
    %reduce_sum3A_85 = arith.constant dense<0.000000e+00> : vector<5x512xf32>
    %reduce_sum3A_86 = vector.multi_reduction <add>, %mul3A_84, %reduce_sum3A_85 [1] : vector<5x32x512xf32> to vector<5x512xf32>
    %swap3A_87 = arith.constant 10 : index
    %swap3A_88 = arith.constant 0 : index
    %swap3A_89 = vector.load %arg21[%swap3A_87, %swap3A_88] : memref<352x512xf32, #tpu.memory_space<vmem>>, vector<5x512xf32>
    tpu.vector_store %arg21[%swap3A_87, %swap3A_88], %reduce_sum3A_86 {strides = array<i32>} : memref<352x512xf32, #tpu.memory_space<vmem>>, vector<5x512xf32>,
    %slice3A_90 = vector.extract_strided_slice %convert_element_type3A_41 {offsets = [192, 0], sizes = [32, 512], strides = [1, 1]} : vector<864x512xf32> to vector<32x512xf32>
    %slice3A_91 = vector.extract_strided_slice %convert_element_type3A_41 {offsets = [0, 0], sizes = [192, 512], strides = [1, 1]} : vector<864x512xf32> to vector<192x512xf32>
    %reshape3A_92 = vector.shape_cast %slice3A_91 : vector<192x512xf32> to vector<6x32x512xf32>
    %broadcast_in_dim3A_93 = vector.shape_cast %slice3A_90 : vector<32x512xf32> to vector<1x32x512xf32>
    %mul3A_94 = vector.broadcast %broadcast_in_dim3A_93 : vector<1x32x512xf32> to vector<6x32x512xf32>
    %mul3A_95 = arith.mulf %reshape3A_92, %mul3A_94 : vector<6x32x512xf32>
    %reduce_sum3A_96 = arith.constant dense<0.000000e+00> : vector<6x512xf32>
    %reduce_sum3A_97 = vector.multi_reduction <add>, %mul3A_95, %reduce_sum3A_96 [1] : vector<6x32x512xf32> to vector<6x512xf32>
    %swap3A_98 = arith.constant 15 : index
    %swap3A_99 = arith.constant 0 : index
    %swap3A_100 = vector.load %arg21[%swap3A_98, %swap3A_99] : memref<352x512xf32, #tpu.memory_space<vmem>>, vector<6x512xf32>
    tpu.vector_store %arg21[%swap3A_98, %swap3A_99], %reduce_sum3A_97 {strides = array<i32>} : memref<352x512xf32, #tpu.memory_space<vmem>>, vector<6x512xf32>,
    %slice3A_101 = vector.extract_strided_slice %convert_element_type3A_41 {offsets = [224, 0], sizes = [32, 512], strides = [1, 1]} : vector<864x512xf32> to vector<32x512xf32>
    %slice3A_102 = vector.extract_strided_slice %convert_element_type3A_41 {offsets = [0, 0], sizes = [224, 512], strides = [1, 1]} : vector<864x512xf32> to vector<224x512xf32>
    %reshape3A_103 = vector.shape_cast %slice3A_102 : vector<224x512xf32> to vector<7x32x512xf32>
    %broadcast_in_dim3A_104 = vector.shape_cast %slice3A_101 : vector<32x512xf32> to vector<1x32x512xf32>
    %mul3A_105 = vector.broadcast %broadcast_in_dim3A_104 : vector<1x32x512xf32> to vector<7x32x512xf32>
    %mul3A_106 = arith.mulf %reshape3A_103, %mul3A_105 : vector<7x32x512xf32>
    %reduce_sum3A_107 = arith.constant dense<0.000000e+00> : vector<7x512xf32>
    %reduce_sum3A_108 = vector.multi_reduction <add>, %mul3A_106, %reduce_sum3A_107 [1] : vector<7x32x512xf32> to vector<7x512xf32>
    %swap3A_109 = arith.constant 21 : index
    %swap3A_110 = arith.constant 0 : index
    %swap3A_111 = vector.load %arg21[%swap3A_109, %swap3A_110] : memref<352x512xf32, #tpu.memory_space<vmem>>, vector<7x512xf32>
    tpu.vector_store %arg21[%swap3A_109, %swap3A_110], %reduce_sum3A_108 {strides = array<i32>} : memref<352x512xf32, #tpu.memory_space<vmem>>, vector<7x512xf32>,
    %slice3A_112 = vector.extract_strided_slice %convert_element_type3A_41 {offsets = [256, 0], sizes = [32, 512], strides = [1, 1]} : vector<864x512xf32> to vector<32x512xf32>
    %slice3A_113 = vector.extract_strided_slice %convert_element_type3A_41 {offsets = [0, 0], sizes = [256, 512], strides = [1, 1]} : vector<864x512xf32> to vector<256x512xf32>
    %reshape3A_114 = vector.shape_cast %slice3A_113 : vector<256x512xf32> to vector<8x32x512xf32>
    %broadcast_in_dim3A_115 = vector.shape_cast %slice3A_112 : vector<32x512xf32> to vector<1x32x512xf32>
    %mul3A_116 = vector.broadcast %broadcast_in_dim3A_115 : vector<1x32x512xf32> to vector<8x32x512xf32>
    %mul3A_117 = arith.mulf %reshape3A_114, %mul3A_116 : vector<8x32x512xf32>
    %reduce_sum3A_118 = arith.constant dense<0.000000e+00> : vector<8x512xf32>
    %reduce_sum3A_119 = vector.multi_reduction <add>, %mul3A_117, %reduce_sum3A_118 [1] : vector<8x32x512xf32> to vector<8x512xf32>
    %swap3A_120 = arith.constant 28 : index
    %swap3A_121 = arith.constant 0 : index
    %swap3A_122 = vector.load %arg21[%swap3A_120, %swap3A_121] : memref<352x512xf32, #tpu.memory_space<vmem>>, vector<8x512xf32>
    tpu.vector_store %arg21[%swap3A_120, %swap3A_121], %reduce_sum3A_119 {strides = array<i32>} : memref<352x512xf32, #tpu.memory_space<vmem>>, vector<8x512xf32>,
    %slice3A_123 = vector.extract_strided_slice %convert_element_type3A_41 {offsets = [288, 0], sizes = [32, 512], strides = [1, 1]} : vector<864x512xf32> to vector<32x512xf32>
    %slice3A_124 = vector.extract_strided_slice %convert_element_type3A_41 {offsets = [0, 0], sizes = [288, 512], strides = [1, 1]} : vector<864x512xf32> to vector<288x512xf32>
    %reshape3A_125 = vector.shape_cast %slice3A_124 : vector<288x512xf32> to vector<9x32x512xf32>
    %broadcast_in_dim3A_126 = vector.shape_cast %slice3A_123 : vector<32x512xf32> to vector<1x32x512xf32>
    %mul3A_127 = vector.broadcast %broadcast_in_dim3A_126 : vector<1x32x512xf32> to vector<9x32x512xf32>
    %mul3A_128 = arith.mulf %reshape3A_125, %mul3A_127 : vector<9x32x512xf32>
    %reduce_sum3A_129 = arith.constant dense<0.000000e+00> : vector<9x512xf32>
    %reduce_sum3A_130 = vector.multi_reduction <add>, %mul3A_128, %reduce_sum3A_129 [1] : vector<9x32x512xf32> to vector<9x512xf32>
    %swap3A_131 = arith.constant 36 : index
    %swap3A_132 = arith.constant 0 : index
    %swap3A_133 = vector.load %arg21[%swap3A_131, %swap3A_132] : memref<352x512xf32, #tpu.memory_space<vmem>>, vector<9x512xf32>
    tpu.vector_store %arg21[%swap3A_131, %swap3A_132], %reduce_sum3A_130 {strides = array<i32>} : memref<352x512xf32, #tpu.memory_space<vmem>>, vector<9x512xf32>,
    %slice3A_134 = vector.extract_strided_slice %convert_element_type3A_41 {offsets = [320, 0], sizes = [32, 512], strides = [1, 1]} : vector<864x512xf32> to vector<32x512xf32>
    %slice3A_135 = vector.extract_strided_slice %convert_element_type3A_41 {offsets = [0, 0], sizes = [320, 512], strides = [1, 1]} : vector<864x512xf32> to vector<320x512xf32>
    %reshape3A_136 = vector.shape_cast %slice3A_135 : vector<320x512xf32> to vector<10x32x512xf32>
    %broadcast_in_dim3A_137 = vector.shape_cast %slice3A_134 : vector<32x512xf32> to vector<1x32x512xf32>
    %mul3A_138 = vector.broadcast %broadcast_in_dim3A_137 : vector<1x32x512xf32> to vector<10x32x512xf32>
    %mul3A_139 = arith.mulf %reshape3A_136, %mul3A_138 : vector<10x32x512xf32>
    %reduce_sum3A_140 = arith.constant dense<0.000000e+00> : vector<10x512xf32>
    %reduce_sum3A_141 = vector.multi_reduction <add>, %mul3A_139, %reduce_sum3A_140 [1] : vector<10x32x512xf32> to vector<10x512xf32>
    %swap3A_142 = arith.constant 45 : index
    %swap3A_143 = arith.constant 0 : index
    %swap3A_144 = vector.load %arg21[%swap3A_142, %swap3A_143] : memref<352x512xf32, #tpu.memory_space<vmem>>, vector<10x512xf32>
    tpu.vector_store %arg21[%swap3A_142, %swap3A_143], %reduce_sum3A_141 {strides = array<i32>} : memref<352x512xf32, #tpu.memory_space<vmem>>, vector<10x512xf32>,
    %slice3A_145 = vector.extract_strided_slice %convert_element_type3A_41 {offsets = [352, 0], sizes = [32, 512], strides = [1, 1]} : vector<864x512xf32> to vector<32x512xf32>
    %slice3A_146 = vector.extract_strided_slice %convert_element_type3A_41 {offsets = [0, 0], sizes = [352, 512], strides = [1, 1]} : vector<864x512xf32> to vector<352x512xf32>
    %reshape3A_147 = vector.shape_cast %slice3A_146 : vector<352x512xf32> to vector<11x32x512xf32>
    %broadcast_in_dim3A_148 = vector.shape_cast %slice3A_145 : vector<32x512xf32> to vector<1x32x512xf32>
    %mul3A_149 = vector.broadcast %broadcast_in_dim3A_148 : vector<1x32x512xf32> to vector<11x32x512xf32>
    %mul3A_150 = arith.mulf %reshape3A_147, %mul3A_149 : vector<11x32x512xf32>
    %reduce_sum3A_151 = arith.constant dense<0.000000e+00> : vector<11x512xf32>
    %reduce_sum3A_152 = vector.multi_reduction <add>, %mul3A_150, %reduce_sum3A_151 [1] : vector<11x32x512xf32> to vector<11x512xf32>
    %swap3A_153 = arith.constant 55 : index
    %swap3A_154 = arith.constant 0 : index
    %swap3A_155 = vector.load %arg21[%swap3A_153, %swap3A_154] : memref<352x512xf32, #tpu.memory_space<vmem>>, vector<11x512xf32>
    tpu.vector_store %arg21[%swap3A_153, %swap3A_154], %reduce_sum3A_152 {strides = array<i32>} : memref<352x512xf32, #tpu.memory_space<vmem>>, vector<11x512xf32>,
    %slice3A_156 = vector.extract_strided_slice %convert_element_type3A_41 {offsets = [384, 0], sizes = [32, 512], strides = [1, 1]} : vector<864x512xf32> to vector<32x512xf32>
    %slice3A_157 = vector.extract_strided_slice %convert_element_type3A_41 {offsets = [0, 0], sizes = [384, 512], strides = [1, 1]} : vector<864x512xf32> to vector<384x512xf32>
    %reshape3A_158 = vector.shape_cast %slice3A_157 : vector<384x512xf32> to vector<12x32x512xf32>
    %broadcast_in_dim3A_159 = vector.shape_cast %slice3A_156 : vector<32x512xf32> to vector<1x32x512xf32>
    %mul3A_160 = vector.broadcast %broadcast_in_dim3A_159 : vector<1x32x512xf32> to vector<12x32x512xf32>
    %mul3A_161 = arith.mulf %reshape3A_158, %mul3A_160 : vector<12x32x512xf32>
    %reduce_sum3A_162 = arith.constant dense<0.000000e+00> : vector<12x512xf32>
    %reduce_sum3A_163 = vector.multi_reduction <add>, %mul3A_161, %reduce_sum3A_162 [1] : vector<12x32x512xf32> to vector<12x512xf32>
    %swap3A_164 = arith.constant 66 : index
    %swap3A_165 = arith.constant 0 : index
    %swap3A_166 = vector.load %arg21[%swap3A_164, %swap3A_165] : memref<352x512xf32, #tpu.memory_space<vmem>>, vector<12x512xf32>
    tpu.vector_store %arg21[%swap3A_164, %swap3A_165], %reduce_sum3A_163 {strides = array<i32>} : memref<352x512xf32, #tpu.memory_space<vmem>>, vector<12x512xf32>,
    %slice3A_167 = vector.extract_strided_slice %convert_element_type3A_41 {offsets = [416, 0], sizes = [32, 512], strides = [1, 1]} : vector<864x512xf32> to vector<32x512xf32>
    %slice3A_168 = vector.extract_strided_slice %convert_element_type3A_41 {offsets = [0, 0], sizes = [416, 512], strides = [1, 1]} : vector<864x512xf32> to vector<416x512xf32>
    %reshape3A_169 = vector.shape_cast %slice3A_168 : vector<416x512xf32> to vector<13x32x512xf32>
    %broadcast_in_dim3A_170 = vector.shape_cast %slice3A_167 : vector<32x512xf32> to vector<1x32x512xf32>
    %mul3A_171 = vector.broadcast %broadcast_in_dim3A_170 : vector<1x32x512xf32> to vector<13x32x512xf32>
    %mul3A_172 = arith.mulf %reshape3A_169, %mul3A_171 : vector<13x32x512xf32>
    %reduce_sum3A_173 = arith.constant dense<0.000000e+00> : vector<13x512xf32>
    %reduce_sum3A_174 = vector.multi_reduction <add>, %mul3A_172, %reduce_sum3A_173 [1] : vector<13x32x512xf32> to vector<13x512xf32>
    %swap3A_175 = arith.constant 78 : index
    %swap3A_176 = arith.constant 0 : index
    %swap3A_177 = vector.load %arg21[%swap3A_175, %swap3A_176] : memref<352x512xf32, #tpu.memory_space<vmem>>, vector<13x512xf32>
    tpu.vector_store %arg21[%swap3A_175, %swap3A_176], %reduce_sum3A_174 {strides = array<i32>} : memref<352x512xf32, #tpu.memory_space<vmem>>, vector<13x512xf32>,
    %slice3A_178 = vector.extract_strided_slice %convert_element_type3A_41 {offsets = [448, 0], sizes = [32, 512], strides = [1, 1]} : vector<864x512xf32> to vector<32x512xf32>
    %slice3A_179 = vector.extract_strided_slice %convert_element_type3A_41 {offsets = [0, 0], sizes = [448, 512], strides = [1, 1]} : vector<864x512xf32> to vector<448x512xf32>
    %reshape3A_180 = vector.shape_cast %slice3A_179 : vector<448x512xf32> to vector<14x32x512xf32>
    %broadcast_in_dim3A_181 = vector.shape_cast %slice3A_178 : vector<32x512xf32> to vector<1x32x512xf32>
    %mul3A_182 = vector.broadcast %broadcast_in_dim3A_181 : vector<1x32x512xf32> to vector<14x32x512xf32>
    %mul3A_183 = arith.mulf %reshape3A_180, %mul3A_182 : vector<14x32x512xf32>
    %reduce_sum3A_184 = arith.constant dense<0.000000e+00> : vector<14x512xf32>
    %reduce_sum3A_185 = vector.multi_reduction <add>, %mul3A_183, %reduce_sum3A_184 [1] : vector<14x32x512xf32> to vector<14x512xf32>
    %swap3A_186 = arith.constant 91 : index
    %swap3A_187 = arith.constant 0 : index
    %swap3A_188 = vector.load %arg21[%swap3A_186, %swap3A_187] : memref<352x512xf32, #tpu.memory_space<vmem>>, vector<14x512xf32>
    tpu.vector_store %arg21[%swap3A_186, %swap3A_187], %reduce_sum3A_185 {strides = array<i32>} : memref<352x512xf32, #tpu.memory_space<vmem>>, vector<14x512xf32>,
    %slice3A_189 = vector.extract_strided_slice %convert_element_type3A_41 {offsets = [480, 0], sizes = [32, 512], strides = [1, 1]} : vector<864x512xf32> to vector<32x512xf32>
    %slice3A_190 = vector.extract_strided_slice %convert_element_type3A_41 {offsets = [0, 0], sizes = [480, 512], strides = [1, 1]} : vector<864x512xf32> to vector<480x512xf32>
    %reshape3A_191 = vector.shape_cast %slice3A_190 : vector<480x512xf32> to vector<15x32x512xf32>
    %broadcast_in_dim3A_192 = vector.shape_cast %slice3A_189 : vector<32x512xf32> to vector<1x32x512xf32>
    %mul3A_193 = vector.broadcast %broadcast_in_dim3A_192 : vector<1x32x512xf32> to vector<15x32x512xf32>
    %mul3A_194 = arith.mulf %reshape3A_191, %mul3A_193 : vector<15x32x512xf32>
    %reduce_sum3A_195 = arith.constant dense<0.000000e+00> : vector<15x512xf32>
    %reduce_sum3A_196 = vector.multi_reduction <add>, %mul3A_194, %reduce_sum3A_195 [1] : vector<15x32x512xf32> to vector<15x512xf32>
    %swap3A_197 = arith.constant 105 : index
    %swap3A_198 = arith.constant 0 : index
    %swap3A_199 = vector.load %arg21[%swap3A_197, %swap3A_198] : memref<352x512xf32, #tpu.memory_space<vmem>>, vector<15x512xf32>
    tpu.vector_store %arg21[%swap3A_197, %swap3A_198], %reduce_sum3A_196 {strides = array<i32>} : memref<352x512xf32, #tpu.memory_space<vmem>>, vector<15x512xf32>,
    %slice3A_200 = vector.extract_strided_slice %convert_element_type3A_41 {offsets = [512, 0], sizes = [32, 512], strides = [1, 1]} : vector<864x512xf32> to vector<32x512xf32>
    %slice3A_201 = vector.extract_strided_slice %convert_element_type3A_41 {offsets = [0, 0], sizes = [512, 512], strides = [1, 1]} : vector<864x512xf32> to vector<512x512xf32>
    %reshape3A_202 = vector.shape_cast %slice3A_201 : vector<512x512xf32> to vector<16x32x512xf32>
    %broadcast_in_dim3A_203 = vector.shape_cast %slice3A_200 : vector<32x512xf32> to vector<1x32x512xf32>
    %mul3A_204 = vector.broadcast %broadcast_in_dim3A_203 : vector<1x32x512xf32> to vector<16x32x512xf32>
    %mul3A_205 = arith.mulf %reshape3A_202, %mul3A_204 : vector<16x32x512xf32>
    %reduce_sum3A_206 = arith.constant dense<0.000000e+00> : vector<16x512xf32>
    %reduce_sum3A_207 = vector.multi_reduction <add>, %mul3A_205, %reduce_sum3A_206 [1] : vector<16x32x512xf32> to vector<16x512xf32>
    %swap3A_208 = arith.constant 120 : index
    %swap3A_209 = arith.constant 0 : index
    %swap3A_210 = vector.load %arg21[%swap3A_208, %swap3A_209] : memref<352x512xf32, #tpu.memory_space<vmem>>, vector<16x512xf32>
    tpu.vector_store %arg21[%swap3A_208, %swap3A_209], %reduce_sum3A_207 {strides = array<i32>} : memref<352x512xf32, #tpu.memory_space<vmem>>, vector<16x512xf32>,
    %slice3A_211 = vector.extract_strided_slice %convert_element_type3A_41 {offsets = [544, 0], sizes = [32, 512], strides = [1, 1]} : vector<864x512xf32> to vector<32x512xf32>
    %slice3A_212 = vector.extract_strided_slice %convert_element_type3A_41 {offsets = [0, 0], sizes = [544, 512], strides = [1, 1]} : vector<864x512xf32> to vector<544x512xf32>
    %reshape3A_213 = vector.shape_cast %slice3A_212 : vector<544x512xf32> to vector<17x32x512xf32>
    %broadcast_in_dim3A_214 = vector.shape_cast %slice3A_211 : vector<32x512xf32> to vector<1x32x512xf32>
    %mul3A_215 = vector.broadcast %broadcast_in_dim3A_214 : vector<1x32x512xf32> to vector<17x32x512xf32>
    %mul3A_216 = arith.mulf %reshape3A_213, %mul3A_215 : vector<17x32x512xf32>
    %reduce_sum3A_217 = arith.constant dense<0.000000e+00> : vector<17x512xf32>
    %reduce_sum3A_218 = vector.multi_reduction <add>, %mul3A_216, %reduce_sum3A_217 [1] : vector<17x32x512xf32> to vector<17x512xf32>
    %swap3A_219 = arith.constant 136 : index
    %swap3A_220 = arith.constant 0 : index
    %swap3A_221 = vector.load %arg21[%swap3A_219, %swap3A_220] : memref<352x512xf32, #tpu.memory_space<vmem>>, vector<17x512xf32>
    tpu.vector_store %arg21[%swap3A_219, %swap3A_220], %reduce_sum3A_218 {strides = array<i32>} : memref<352x512xf32, #tpu.memory_space<vmem>>, vector<17x512xf32>,
    %slice3A_222 = vector.extract_strided_slice %convert_element_type3A_41 {offsets = [576, 0], sizes = [32, 512], strides = [1, 1]} : vector<864x512xf32> to vector<32x512xf32>
    %slice3A_223 = vector.extract_strided_slice %convert_element_type3A_41 {offsets = [0, 0], sizes = [576, 512], strides = [1, 1]} : vector<864x512xf32> to vector<576x512xf32>
    %reshape3A_224 = vector.shape_cast %slice3A_223 : vector<576x512xf32> to vector<18x32x512xf32>
    %broadcast_in_dim3A_225 = vector.shape_cast %slice3A_222 : vector<32x512xf32> to vector<1x32x512xf32>
    %mul3A_226 = vector.broadcast %broadcast_in_dim3A_225 : vector<1x32x512xf32> to vector<18x32x512xf32>
    %mul3A_227 = arith.mulf %reshape3A_224, %mul3A_226 : vector<18x32x512xf32>
    %reduce_sum3A_228 = arith.constant dense<0.000000e+00> : vector<18x512xf32>
    %reduce_sum3A_229 = vector.multi_reduction <add>, %mul3A_227, %reduce_sum3A_228 [1] : vector<18x32x512xf32> to vector<18x512xf32>
    %swap3A_230 = arith.constant 153 : index
    %swap3A_231 = arith.constant 0 : index
    %swap3A_232 = vector.load %arg21[%swap3A_230, %swap3A_231] : memref<352x512xf32, #tpu.memory_space<vmem>>, vector<18x512xf32>
    tpu.vector_store %arg21[%swap3A_230, %swap3A_231], %reduce_sum3A_229 {strides = array<i32>} : memref<352x512xf32, #tpu.memory_space<vmem>>, vector<18x512xf32>,
    %slice3A_233 = vector.extract_strided_slice %convert_element_type3A_41 {offsets = [608, 0], sizes = [32, 512], strides = [1, 1]} : vector<864x512xf32> to vector<32x512xf32>
    %slice3A_234 = vector.extract_strided_slice %convert_element_type3A_41 {offsets = [0, 0], sizes = [608, 512], strides = [1, 1]} : vector<864x512xf32> to vector<608x512xf32>
    %reshape3A_235 = vector.shape_cast %slice3A_234 : vector<608x512xf32> to vector<19x32x512xf32>
    %broadcast_in_dim3A_236 = vector.shape_cast %slice3A_233 : vector<32x512xf32> to vector<1x32x512xf32>
    %mul3A_237 = vector.broadcast %broadcast_in_dim3A_236 : vector<1x32x512xf32> to vector<19x32x512xf32>
    %mul3A_238 = arith.mulf %reshape3A_235, %mul3A_237 : vector<19x32x512xf32>
    %reduce_sum3A_239 = arith.constant dense<0.000000e+00> : vector<19x512xf32>
    %reduce_sum3A_240 = vector.multi_reduction <add>, %mul3A_238, %reduce_sum3A_239 [1] : vector<19x32x512xf32> to vector<19x512xf32>
    %swap3A_241 = arith.constant 171 : index
    %swap3A_242 = arith.constant 0 : index
    %swap3A_243 = vector.load %arg21[%swap3A_241, %swap3A_242] : memref<352x512xf32, #tpu.memory_space<vmem>>, vector<19x512xf32>
    tpu.vector_store %arg21[%swap3A_241, %swap3A_242], %reduce_sum3A_240 {strides = array<i32>} : memref<352x512xf32, #tpu.memory_space<vmem>>, vector<19x512xf32>,
    %slice3A_244 = vector.extract_strided_slice %convert_element_type3A_41 {offsets = [640, 0], sizes = [32, 512], strides = [1, 1]} : vector<864x512xf32> to vector<32x512xf32>
    %slice3A_245 = vector.extract_strided_slice %convert_element_type3A_41 {offsets = [0, 0], sizes = [640, 512], strides = [1, 1]} : vector<864x512xf32> to vector<640x512xf32>
    %reshape3A_246 = vector.shape_cast %slice3A_245 : vector<640x512xf32> to vector<20x32x512xf32>
    %broadcast_in_dim3A_247 = vector.shape_cast %slice3A_244 : vector<32x512xf32> to vector<1x32x512xf32>
    %mul3A_248 = vector.broadcast %broadcast_in_dim3A_247 : vector<1x32x512xf32> to vector<20x32x512xf32>
    %mul3A_249 = arith.mulf %reshape3A_246, %mul3A_248 : vector<20x32x512xf32>
    %reduce_sum3A_250 = arith.constant dense<0.000000e+00> : vector<20x512xf32>
    %reduce_sum3A_251 = vector.multi_reduction <add>, %mul3A_249, %reduce_sum3A_250 [1] : vector<20x32x512xf32> to vector<20x512xf32>
    %swap3A_252 = arith.constant 190 : index
    %swap3A_253 = arith.constant 0 : index
    %swap3A_254 = vector.load %arg21[%swap3A_252, %swap3A_253] : memref<352x512xf32, #tpu.memory_space<vmem>>, vector<20x512xf32>
    tpu.vector_store %arg21[%swap3A_252, %swap3A_253], %reduce_sum3A_251 {strides = array<i32>} : memref<352x512xf32, #tpu.memory_space<vmem>>, vector<20x512xf32>,
    %slice3A_255 = vector.extract_strided_slice %convert_element_type3A_41 {offsets = [672, 0], sizes = [32, 512], strides = [1, 1]} : vector<864x512xf32> to vector<32x512xf32>
    %slice3A_256 = vector.extract_strided_slice %convert_element_type3A_41 {offsets = [0, 0], sizes = [672, 512], strides = [1, 1]} : vector<864x512xf32> to vector<672x512xf32>
    %reshape3A_257 = vector.shape_cast %slice3A_256 : vector<672x512xf32> to vector<21x32x512xf32>
    %broadcast_in_dim3A_258 = vector.shape_cast %slice3A_255 : vector<32x512xf32> to vector<1x32x512xf32>
    %mul3A_259 = vector.broadcast %broadcast_in_dim3A_258 : vector<1x32x512xf32> to vector<21x32x512xf32>
    %mul3A_260 = arith.mulf %reshape3A_257, %mul3A_259 : vector<21x32x512xf32>
    %reduce_sum3A_261 = arith.constant dense<0.000000e+00> : vector<21x512xf32>
    %reduce_sum3A_262 = vector.multi_reduction <add>, %mul3A_260, %reduce_sum3A_261 [1] : vector<21x32x512xf32> to vector<21x512xf32>
    %swap3A_263 = arith.constant 210 : index
    %swap3A_264 = arith.constant 0 : index
    %swap3A_265 = vector.load %arg21[%swap3A_263, %swap3A_264] : memref<352x512xf32, #tpu.memory_space<vmem>>, vector<21x512xf32>
    tpu.vector_store %arg21[%swap3A_263, %swap3A_264], %reduce_sum3A_262 {strides = array<i32>} : memref<352x512xf32, #tpu.memory_space<vmem>>, vector<21x512xf32>,
    %slice3A_266 = vector.extract_strided_slice %convert_element_type3A_41 {offsets = [704, 0], sizes = [32, 512], strides = [1, 1]} : vector<864x512xf32> to vector<32x512xf32>
    %slice3A_267 = vector.extract_strided_slice %convert_element_type3A_41 {offsets = [0, 0], sizes = [704, 512], strides = [1, 1]} : vector<864x512xf32> to vector<704x512xf32>
    %reshape3A_268 = vector.shape_cast %slice3A_267 : vector<704x512xf32> to vector<22x32x512xf32>
    %broadcast_in_dim3A_269 = vector.shape_cast %slice3A_266 : vector<32x512xf32> to vector<1x32x512xf32>
    %mul3A_270 = vector.broadcast %broadcast_in_dim3A_269 : vector<1x32x512xf32> to vector<22x32x512xf32>
    %mul3A_271 = arith.mulf %reshape3A_268, %mul3A_270 : vector<22x32x512xf32>
    %reduce_sum3A_272 = arith.constant dense<0.000000e+00> : vector<22x512xf32>
    %reduce_sum3A_273 = vector.multi_reduction <add>, %mul3A_271, %reduce_sum3A_272 [1] : vector<22x32x512xf32> to vector<22x512xf32>
    %swap3A_274 = arith.constant 231 : index
    %swap3A_275 = arith.constant 0 : index
    %swap3A_276 = vector.load %arg21[%swap3A_274, %swap3A_275] : memref<352x512xf32, #tpu.memory_space<vmem>>, vector<22x512xf32>
    tpu.vector_store %arg21[%swap3A_274, %swap3A_275], %reduce_sum3A_273 {strides = array<i32>} : memref<352x512xf32, #tpu.memory_space<vmem>>, vector<22x512xf32>,
    %slice3A_277 = vector.extract_strided_slice %convert_element_type3A_41 {offsets = [736, 0], sizes = [32, 512], strides = [1, 1]} : vector<864x512xf32> to vector<32x512xf32>
    %slice3A_278 = vector.extract_strided_slice %convert_element_type3A_41 {offsets = [0, 0], sizes = [736, 512], strides = [1, 1]} : vector<864x512xf32> to vector<736x512xf32>
    %reshape3A_279 = vector.shape_cast %slice3A_278 : vector<736x512xf32> to vector<23x32x512xf32>
    %broadcast_in_dim3A_280 = vector.shape_cast %slice3A_277 : vector<32x512xf32> to vector<1x32x512xf32>
    %mul3A_281 = vector.broadcast %broadcast_in_dim3A_280 : vector<1x32x512xf32> to vector<23x32x512xf32>
    %mul3A_282 = arith.mulf %reshape3A_279, %mul3A_281 : vector<23x32x512xf32>
    %reduce_sum3A_283 = arith.constant dense<0.000000e+00> : vector<23x512xf32>
    %reduce_sum3A_284 = vector.multi_reduction <add>, %mul3A_282, %reduce_sum3A_283 [1] : vector<23x32x512xf32> to vector<23x512xf32>
    %swap3A_285 = arith.constant 253 : index
    %swap3A_286 = arith.constant 0 : index
    %swap3A_287 = vector.load %arg21[%swap3A_285, %swap3A_286] : memref<352x512xf32, #tpu.memory_space<vmem>>, vector<23x512xf32>
    tpu.vector_store %arg21[%swap3A_285, %swap3A_286], %reduce_sum3A_284 {strides = array<i32>} : memref<352x512xf32, #tpu.memory_space<vmem>>, vector<23x512xf32>,
    %slice3A_288 = vector.extract_strided_slice %convert_element_type3A_41 {offsets = [768, 0], sizes = [32, 512], strides = [1, 1]} : vector<864x512xf32> to vector<32x512xf32>
    %slice3A_289 = vector.extract_strided_slice %convert_element_type3A_41 {offsets = [0, 0], sizes = [768, 512], strides = [1, 1]} : vector<864x512xf32> to vector<768x512xf32>
    %reshape3A_290 = vector.shape_cast %slice3A_289 : vector<768x512xf32> to vector<24x32x512xf32>
    %broadcast_in_dim3A_291 = vector.shape_cast %slice3A_288 : vector<32x512xf32> to vector<1x32x512xf32>
    %mul3A_292 = vector.broadcast %broadcast_in_dim3A_291 : vector<1x32x512xf32> to vector<24x32x512xf32>
    %mul3A_293 = arith.mulf %reshape3A_290, %mul3A_292 : vector<24x32x512xf32>
    %reduce_sum3A_294 = arith.constant dense<0.000000e+00> : vector<24x512xf32>
    %reduce_sum3A_295 = vector.multi_reduction <add>, %mul3A_293, %reduce_sum3A_294 [1] : vector<24x32x512xf32> to vector<24x512xf32>
    %swap3A_296 = arith.constant 276 : index
    %swap3A_297 = arith.constant 0 : index
    %swap3A_298 = vector.load %arg21[%swap3A_296, %swap3A_297] : memref<352x512xf32, #tpu.memory_space<vmem>>, vector<24x512xf32>
    tpu.vector_store %arg21[%swap3A_296, %swap3A_297], %reduce_sum3A_295 {strides = array<i32>} : memref<352x512xf32, #tpu.memory_space<vmem>>, vector<24x512xf32>,
    %slice3A_299 = vector.extract_strided_slice %convert_element_type3A_41 {offsets = [800, 0], sizes = [32, 512], strides = [1, 1]} : vector<864x512xf32> to vector<32x512xf32>
    %slice3A_300 = vector.extract_strided_slice %convert_element_type3A_41 {offsets = [0, 0], sizes = [800, 512], strides = [1, 1]} : vector<864x512xf32> to vector<800x512xf32>
    %reshape3A_301 = vector.shape_cast %slice3A_300 : vector<800x512xf32> to vector<25x32x512xf32>
    %broadcast_in_dim3A_302 = vector.shape_cast %slice3A_299 : vector<32x512xf32> to vector<1x32x512xf32>
    %mul3A_303 = vector.broadcast %broadcast_in_dim3A_302 : vector<1x32x512xf32> to vector<25x32x512xf32>
    %mul3A_304 = arith.mulf %reshape3A_301, %mul3A_303 : vector<25x32x512xf32>
    %reduce_sum3A_305 = arith.constant dense<0.000000e+00> : vector<25x512xf32>
    %reduce_sum3A_306 = vector.multi_reduction <add>, %mul3A_304, %reduce_sum3A_305 [1] : vector<25x32x512xf32> to vector<25x512xf32>
    %swap3A_307 = arith.constant 300 : index
    %swap3A_308 = arith.constant 0 : index
    %swap3A_309 = vector.load %arg21[%swap3A_307, %swap3A_308] : memref<352x512xf32, #tpu.memory_space<vmem>>, vector<25x512xf32>
    tpu.vector_store %arg21[%swap3A_307, %swap3A_308], %reduce_sum3A_306 {strides = array<i32>} : memref<352x512xf32, #tpu.memory_space<vmem>>, vector<25x512xf32>,
    %slice3A_310 = vector.extract_strided_slice %convert_element_type3A_41 {offsets = [832, 0], sizes = [32, 512], strides = [1, 1]} : vector<864x512xf32> to vector<32x512xf32>
    %slice3A_311 = vector.extract_strided_slice %convert_element_type3A_41 {offsets = [0, 0], sizes = [832, 512], strides = [1, 1]} : vector<864x512xf32> to vector<832x512xf32>
    %reshape3A_312 = vector.shape_cast %slice3A_311 : vector<832x512xf32> to vector<26x32x512xf32>
    %broadcast_in_dim3A_313 = vector.shape_cast %slice3A_310 : vector<32x512xf32> to vector<1x32x512xf32>
    %mul3A_314 = vector.broadcast %broadcast_in_dim3A_313 : vector<1x32x512xf32> to vector<26x32x512xf32>
    %mul3A_315 = arith.mulf %reshape3A_312, %mul3A_314 : vector<26x32x512xf32>
    %reduce_sum3A_316 = arith.constant dense<0.000000e+00> : vector<26x512xf32>
    %reduce_sum3A_317 = vector.multi_reduction <add>, %mul3A_315, %reduce_sum3A_316 [1] : vector<26x32x512xf32> to vector<26x512xf32>
    %swap3A_318 = arith.constant 325 : index
    %swap3A_319 = arith.constant 0 : index
    %swap3A_320 = vector.load %arg21[%swap3A_318, %swap3A_319] : memref<352x512xf32, #tpu.memory_space<vmem>>, vector<26x512xf32>
    tpu.vector_store %arg21[%swap3A_318, %swap3A_319], %reduce_sum3A_317 {strides = array<i32>} : memref<352x512xf32, #tpu.memory_space<vmem>>, vector<26x512xf32>,
    %broadcast_in_dim3A_321 = arith.constant 0.000000e+00 : f32
    %broadcast_in_dim3A_322 = vector.broadcast %broadcast_in_dim3A_321 : f32 to vector<512xf32>
    %swap3A_323 = arith.constant 351 : index
    %swap3A_324 = arith.constant 0 : index
    %swap3A_325 = vector.load %arg21[%swap3A_323, %swap3A_324] : memref<352x512xf32, #tpu.memory_space<vmem>>, vector<1x512xf32>
    %swap3A_326 = vector.shape_cast %swap3A_325 : vector<1x512xf32> to vector<512xf32>
    %swap3A_327 = vector.shape_cast %broadcast_in_dim3A_322 : vector<512xf32> to vector<1x512xf32>
    tpu.vector_store %arg21[%swap3A_323, %swap3A_324], %swap3A_327 {strides = array<i32>} : memref<352x512xf32, #tpu.memory_space<vmem>>, vector<1x512xf32>,
    %get3A_328 = arith.constant 0 : index
    %get3A_329 = arith.constant 0 : index
    %get3A_330 = vector.load %arg21[%get3A_328, %get3A_329] : memref<352x512xf32, #tpu.memory_space<vmem>>, vector<352x512xf32>
    %get3A_331 = arith.constant 0 : index
    %get3A_332 = arith.constant 0 : index
    %get3A_333 = vector.load %arg9[%get3A_331, %get3A_332] : memref<1024x32xf32, #tpu.memory_space<vmem>>, vector<1024x32xf32>
    %dot_general3A_334 = arith.constant dense<0.000000e+00> : vector<1024x512xf32>
    %dot_general3A_335 = tpu.matmul %get3A_333, %max3A_37, %dot_general3A_334 {dimension_numbers = #tpu.dot_dimension_numbers<[1], [0], [0], [1], [0, 0, 1, 1], [], []>, transpose_lhs_hint = false} : vector<1024x32xf32>, vector<32x512xf32>, vector<1024x512xf32> -> vector<1024x512xf32>
    %get3A_336 = arith.constant 0 : index
    %get3A_337 = arith.constant 0 : index
    %get3A_338 = vector.load %arg10[%get3A_336, %get3A_337] : memref<1024x352xf32, #tpu.memory_space<vmem>>, vector<1024x352xf32>
    %dot_general3A_339 = arith.constant dense<0.000000e+00> : vector<1024x512xf32>
    %dot_general3A_340 = tpu.matmul %get3A_338, %get3A_330, %dot_general3A_339 {dimension_numbers = #tpu.dot_dimension_numbers<[1], [0], [0], [1], [0, 0, 1, 1], [], []>, transpose_lhs_hint = false} : vector<1024x352xf32>, vector<352x512xf32>, vector<1024x512xf32> -> vector<1024x512xf32>
    %add3A_341 = arith.addf %dot_general3A_335, %dot_general3A_340 : vector<1024x512xf32>
    %get3A_342 = arith.constant 0 : index
    %get3A_343 = arith.constant 0 : index
    %get3A_344 = vector.load %arg11[%get3A_342, %get3A_343] : memref<1024x1xf32, #tpu.memory_space<vmem>>, vector<1024x1xf32>
    %add3A_345 = vector.broadcast %get3A_344 : vector<1024x1xf32> to vector<1024x512xf32>
    %add3A_346 = arith.addf %add3A_341, %add3A_345 : vector<1024x512xf32>
    %max3A_347 = arith.constant 0.000000e+00 : f32
    %max3A_348 = vector.broadcast %max3A_347 : f32 to vector<1024x512xf32>
    %max3A_349 = arith.maximumf %add3A_346, %max3A_348 : vector<1024x512xf32>
    %get3A_350 = arith.constant 0 : index
    %get3A_351 = arith.constant 0 : index
    %get3A_352 = vector.load %arg12[%get3A_350, %get3A_351] : memref<1024x1024xf32, #tpu.memory_space<vmem>>, vector<1024x1024xf32>
    %dot_general3A_353 = arith.constant dense<0.000000e+00> : vector<1024x512xf32>
    %dot_general3A_354 = tpu.matmul %get3A_352, %max3A_349, %dot_general3A_353 {dimension_numbers = #tpu.dot_dimension_numbers<[1], [0], [0], [1], [0, 0, 1, 1], [], []>, transpose_lhs_hint = false} : vector<1024x1024xf32>, vector<1024x512xf32>, vector<1024x512xf32> -> vector<1024x512xf32>
    %get3A_355 = arith.constant 0 : index
    %get3A_356 = arith.constant 0 : index
    %get3A_357 = vector.load %arg13[%get3A_355, %get3A_356] : memref<1024x1xf32, #tpu.memory_space<vmem>>, vector<1024x1xf32>
    %add3A_358 = vector.broadcast %get3A_357 : vector<1024x1xf32> to vector<1024x512xf32>
    %add3A_359 = arith.addf %dot_general3A_354, %add3A_358 : vector<1024x512xf32>
    %max3A_360 = arith.constant 0.000000e+00 : f32
    %max3A_361 = vector.broadcast %max3A_360 : f32 to vector<1024x512xf32>
    %max3A_362 = arith.maximumf %add3A_359, %max3A_361 : vector<1024x512xf32>
    %get3A_363 = arith.constant 0 : index
    %get3A_364 = arith.constant 0 : index
    %get3A_365 = vector.load %arg14[%get3A_363, %get3A_364] : memref<512x1024xf32, #tpu.memory_space<vmem>>, vector<512x1024xf32>
    %dot_general3A_366 = arith.constant dense<0.000000e+00> : vector<512x512xf32>
    %dot_general3A_367 = tpu.matmul %get3A_365, %max3A_362, %dot_general3A_366 {dimension_numbers = #tpu.dot_dimension_numbers<[1], [0], [0], [1], [0, 0, 1, 1], [], []>, transpose_lhs_hint = false} : vector<512x1024xf32>, vector<1024x512xf32>, vector<512x512xf32> -> vector<512x512xf32>
    %get3A_368 = arith.constant 0 : index
    %get3A_369 = arith.constant 0 : index
    %get3A_370 = vector.load %arg15[%get3A_368, %get3A_369] : memref<512x1xf32, #tpu.memory_space<vmem>>, vector<512x1xf32>
    %add3A_371 = vector.broadcast %get3A_370 : vector<512x1xf32> to vector<512x512xf32>
    %add3A_372 = arith.addf %dot_general3A_367, %add3A_371 : vector<512x512xf32>
    %max3A_373 = arith.constant 0.000000e+00 : f32
    %max3A_374 = vector.broadcast %max3A_373 : f32 to vector<512x512xf32>
    %max3A_375 = arith.maximumf %add3A_372, %max3A_374 : vector<512x512xf32>
    %get3A_376 = arith.constant 0 : index
    %get3A_377 = arith.constant 0 : index
    %get3A_378 = vector.load %arg16[%get3A_376, %get3A_377] : memref<256x512xf32, #tpu.memory_space<vmem>>, vector<256x512xf32>
    %dot_general3A_379 = arith.constant dense<0.000000e+00> : vector<256x512xf32>
    %dot_general3A_380 = tpu.matmul %get3A_378, %max3A_375, %dot_general3A_379 {dimension_numbers = #tpu.dot_dimension_numbers<[1], [0], [0], [1], [0, 0, 1, 1], [], []>, transpose_lhs_hint = false} : vector<256x512xf32>, vector<512x512xf32>, vector<256x512xf32> -> vector<256x512xf32>
    %get3A_381 = arith.constant 0 : index
    %get3A_382 = arith.constant 0 : index
    %get3A_383 = vector.load %arg17[%get3A_381, %get3A_382] : memref<256x1xf32, #tpu.memory_space<vmem>>, vector<256x1xf32>
    %add3A_384 = vector.broadcast %get3A_383 : vector<256x1xf32> to vector<256x512xf32>
    %add3A_385 = arith.addf %dot_general3A_380, %add3A_384 : vector<256x512xf32>
    %max3A_386 = arith.constant 0.000000e+00 : f32
    %max3A_387 = vector.broadcast %max3A_386 : f32 to vector<256x512xf32>
    %max3A_388 = arith.maximumf %add3A_385, %max3A_387 : vector<256x512xf32>
    %get3A_389 = arith.constant 0 : index
    %get3A_390 = arith.constant 0 : index
    %get3A_391 = vector.load %arg18[%get3A_389, %get3A_390] : memref<1x256xf32, #tpu.memory_space<vmem>>, vector<1x256xf32>
    %dot_general3A_392 = arith.constant dense<0.000000e+00> : vector<1x512xf32>
    %dot_general3A_393 = tpu.matmul %get3A_391, %max3A_388, %dot_general3A_392 {dimension_numbers = #tpu.dot_dimension_numbers<[1], [0], [0], [1], [0, 0, 1, 1], [], []>, transpose_lhs_hint = false} : vector<1x256xf32>, vector<256x512xf32>, vector<1x512xf32> -> vector<1x512xf32>
    %get3A_394 = arith.constant 0 : index
    %get3A_395 = arith.constant 0 : index
    %get3A_396 = vector.load %arg19[%get3A_394, %get3A_395] : memref<1x1xf32, #tpu.memory_space<vmem>>, vector<1x1xf32>
    %add3A_397 = vector.broadcast %get3A_396 : vector<1x1xf32> to vector<1x512xf32>
    %add3A_398 = arith.addf %dot_general3A_393, %add3A_397 : vector<1x512xf32>
    %swap3A_399 = arith.constant 0 : index
    %swap3A_400 = arith.constant 0 : index
    %swap3A_401 = vector.load %arg20[%swap3A_399, %swap3A_400] : memref<1x512xf32, #tpu.memory_space<vmem>>, vector<1x512xf32>
    tpu.vector_store %arg20[%swap3A_399, %swap3A_400], %add3A_398 {strides = array<i32>} : memref<1x512xf32, #tpu.memory_space<vmem>>, vector<1x512xf32>,
    return
  }
  func.func @transform_0(%arg0: i32) -> (i32, i32) {
    %c0_i32 = arith.constant 0 : i32
    %c0_i32_0 = arith.constant 0 : i32
    return %c0_i32, %arg0 : i32, i32
  }
  func.func @transform_1(%arg0: i32) -> (i32, i32) {
    %c0_i32 = arith.constant 0 : i32
    %c0_i32_0 = arith.constant 0 : i32
    return %arg0, %c0_i32 : i32, i32
  }
  func.func @transform_2(%arg0: i32) -> (i32, i32) {
    %c0_i32 = arith.constant 0 : i32
    %c0_i32_0 = arith.constant 0 : i32
    %c0_i32_1 = arith.constant 0 : i32
    return %c0_i32, %c0_i32_0 : i32, i32
  }
  func.func @transform_3(%arg0: i32) -> (i32, i32) {
    %c0_i32 = arith.constant 0 : i32
    %c0_i32_0 = arith.constant 0 : i32
    %c0_i32_1 = arith.constant 0 : i32
    return %c0_i32, %c0_i32_0 : i32, i32
  }
  func.func @transform_4(%arg0: i32) -> (i32, i32) {
    %c0_i32 = arith.constant 0 : i32
    %c0_i32_0 = arith.constant 0 : i32
    %c0_i32_1 = arith.constant 0 : i32
    return %c0_i32, %c0_i32_0 : i32, i32
  }
  func.func @transform_5(%arg0: i32) -> (i32, i32) {
    %c0_i32 = arith.constant 0 : i32
    %c0_i32_0 = arith.constant 0 : i32
    %c0_i32_1 = arith.constant 0 : i32
    return %c0_i32, %c0_i32_0 : i32, i32
  }
  func.func @transform_6(%arg0: i32) -> (i32, i32) {
    %c0_i32 = arith.constant 0 : i32
    %c0_i32_0 = arith.constant 0 : i32
    %c0_i32_1 = arith.constant 0 : i32
    return %c0_i32, %c0_i32_0 : i32, i32
  }
  func.func @transform_7(%arg0: i32) -> (i32, i32) {
    %c0_i32 = arith.constant 0 : i32
    %c0_i32_0 = arith.constant 0 : i32
    %c0_i32_1 = arith.constant 0 : i32
    return %c0_i32, %c0_i32_0 : i32, i32
  }
  func.func @transform_8(%arg0: i32) -> (i32, i32) {
    %c0_i32 = arith.constant 0 : i32
    %c0_i32_0 = arith.constant 0 : i32
    %c0_i32_1 = arith.constant 0 : i32
    return %c0_i32, %c0_i32_0 : i32, i32
  }
  func.func @transform_9(%arg0: i32) -> (i32, i32) {
    %c0_i32 = arith.constant 0 : i32
    %c0_i32_0 = arith.constant 0 : i32
    %c0_i32_1 = arith.constant 0 : i32
    return %c0_i32, %c0_i32_0 : i32, i32
  }
  func.func @transform_10(%arg0: i32) -> (i32, i32) {
    %c0_i32 = arith.constant 0 : i32
    %c0_i32_0 = arith.constant 0 : i32
    %c0_i32_1 = arith.constant 0 : i32
    return %c0_i32, %c0_i32_0 : i32, i32
  }
  func.func @transform_11(%arg0: i32) -> (i32, i32) {
    %c0_i32 = arith.constant 0 : i32
    %c0_i32_0 = arith.constant 0 : i32
    %c0_i32_1 = arith.constant 0 : i32
    return %c0_i32, %c0_i32_0 : i32, i32
  }
  func.func @transform_12(%arg0: i32) -> (i32, i32) {
    %c0_i32 = arith.constant 0 : i32
    %c0_i32_0 = arith.constant 0 : i32
    %c0_i32_1 = arith.constant 0 : i32
    return %c0_i32, %c0_i32_0 : i32, i32
  }
  func.func @transform_13(%arg0: i32) -> (i32, i32) {
    %c0_i32 = arith.constant 0 : i32
    %c0_i32_0 = arith.constant 0 : i32
    %c0_i32_1 = arith.constant 0 : i32
    return %c0_i32, %c0_i32_0 : i32, i32
  }
  func.func @transform_14(%arg0: i32) -> (i32, i32) {
    %c0_i32 = arith.constant 0 : i32
    %c0_i32_0 = arith.constant 0 : i32
    %c0_i32_1 = arith.constant 0 : i32
    return %c0_i32, %c0_i32_0 : i32, i32
  }
  func.func @transform_15(%arg0: i32) -> (i32, i32) {
    %c0_i32 = arith.constant 0 : i32
    %c0_i32_0 = arith.constant 0 : i32
    %c0_i32_1 = arith.constant 0 : i32
    return %c0_i32, %c0_i32_0 : i32, i32
  }
  func.func @transform_16(%arg0: i32) -> (i32, i32) {
    %c0_i32 = arith.constant 0 : i32
    %c0_i32_0 = arith.constant 0 : i32
    %c0_i32_1 = arith.constant 0 : i32
    return %c0_i32, %c0_i32_0 : i32, i32
  }
  func.func @transform_17(%arg0: i32) -> (i32, i32) {
    %c0_i32 = arith.constant 0 : i32
    %c0_i32_0 = arith.constant 0 : i32
    %c0_i32_1 = arith.constant 0 : i32
    return %c0_i32, %c0_i32_0 : i32, i32
  }
  func.func @transform_18(%arg0: i32) -> (i32, i32) {
    %c0_i32 = arith.constant 0 : i32
    %c0_i32_0 = arith.constant 0 : i32
    %c0_i32_1 = arith.constant 0 : i32
    return %c0_i32, %c0_i32_0 : i32, i32
  }
  func.func @transform_19(%arg0: i32) -> (i32, i32) {
    %c0_i32 = arith.constant 0 : i32
    %c0_i32_0 = arith.constant 0 : i32
    return %c0_i32, %arg0 : i32, i32
  }
}

</mosaic_0001>

<sc_bundles>
// kernel: kernel.4.cloned.1.call-start
scs
__scs_entry_jumppad:
0x0: {  	(pc) =	sbr.rel $0x88, $3  }
0x1: {  	(tag) =	ssettag $0x0;
	lr =	simm.s32 $0x1  }
0x2: {  	[smem:$0x3F8E] =	sst lr;
	_ =	strace $0xD0000000  }
0x3: {  	_ = 	snop  }
0x4: {  	_ = 	snop  }
0x5: {  	_ = 	snop  }
0x6: {  	_ = 	snop  }
0x7: {  	_ = 	snop  }
__scs_overlays_trampoline_lowered:
0x8: {  	[smem:$0x3F9D] =	sst s0  }
0x9: {  	[smem:$0x3F9E] =	sst s1  }
0xa: {  	[smem:$0x3F9F] =	sst s2  }
0xb: {  	[smem:$0x3FA0] =	sst s3  }
0xc: {  	[smem:$0x3FA1] =	sst s4  }
0xd: {  	[smem:$0x3FA2] =	sst s5  }
0xe: {  	[smem:$0x3FA3] =	sst s6  }
0xf: {  	[smem:$0x3FA4] =	sst s7  }
0x10: {  	[smem:$0x3FA5] =	sst s8  }
0x11: {  	[smem:$0x3FA6] =	sst s9;
	s0 =	simm.s32 @!p0 $0x0  }
0x12: {  	s1 =	sld [smem:$0x3F8C];
	s0 =	simm.s32 @p0 $0x1  }
0x13: {  	[smem:$0x3FA7] =	sst s0;
	s0 =	simm.s32 @!p1 $0x0  }
0x14: {  	s2 =	sld [smem:$0x3F8B];
	s0 =	simm.s32 @p1 $0x1  }
0x15: {  	[smem:$0x3FA8] =	sst s0;
	s0 =	simm.s32 @!p2 $0x0  }
0x16: {  	s3 =	sld [smem:$0x3FDB];
	s0 =	simm.s32 @p2 $0x1  }
0x17: {  	s4 =	simm.s32 $0x1BF5;
	[smem:$0x3FAA] =	sst s0  }
0x18: {  	s0 =	sld [smem:$0x3F8D];
	_ =	swait.ge [sflag:s4], $0x0  }
0x19: {  	s7 =	sld [smem:$0x3F8E]  }
0x1a: {  	s8 =	sadd.s32 $0xFFFFE003, lr  }
0x1b: {  	s9 =	sadd.s32 $0xFFFFFEF7, lr;
	s5 =	simm.s32 $0xFFFFFFFF;
	p2 =	slt.u32 s8, $0xFFFFF086  }
0x1c: {  	p1 =	slt.u32 s9, $0xF7A;
	s5 =	simm.s32 @!p2 $0x0  }
0x1d: {  	s5 =	simm.s32 @p1 $0x1;
	p0 =	seq.s32 s7, s2  }
0x1e: {  	s7 =	smul.u32 @!p0 $0xF7A, s2;
	p2 =	seq.s32 @!p0 s5, $0x0  }
0x1f: {  	s9 =	smul.u32 $0xF7A, s1;
	s8 =	simm.s32 @!p0 $0x1BF5;
	p2 =	por !p2, p0  }
0x20: {  	[sflag:s8] =	ssyncset.s32 @!p0 $0xFFFFF086;
	s6 =	sadd.s32 @!p0 s3, s7;
	s7 =	simm.s32 @!p0 $0x108  }
0x21: {  	s3 =	sadd.s32 s3, s9;
	s6 =	sadd.s32 @!p0 $0x88, s6;
	s7 =	simm.s32 @p2 $0x1082  }
0x22: {  	[simem:s7], [sflag:s8] =	dma.local @!p0 [hbm:s6], $0xF7A  }
0x23: {  	s9 =	sor.u32 $0xD0000000, s2;
	s6 =	simm.s32 $0x108;
	_ =	swait.ge @!p0 [sflag:s8], $0x0  }
0x24: {  	s3 =	sadd.s32 $0x88, s3;
	s6 =	simm.s32 @!p1 $0x1082;
	[sflag:s4] =	ssyncset.s32 $0xFFFFF086  }
0x25: {  	[simem:s6], [sflag:s4] =	dma.local [hbm:s3], $0xF7A  }
0x26: {  	[smem:$0x3F8E] =	sst s1;
	(tag) =	ssettag s2;
	_ =	strace s9  }
0x27: {  	s1 =	sld [smem:$0x3F9E]  }
0x28: {  	s2 =	sld [smem:$0x3F9F]  }
0x29: {  	s4 =	sld [smem:$0x3FA1]  }
0x2a: {  	p0 =	seq.s32 s5, $0x0;
	s5 =	sld [smem:$0x3FA2]  }
0x2b: {  	s6 =	sld [smem:$0x3FA3]  }
0x2c: {  	s7 =	sld [smem:$0x3FA4]  }
0x2d: {  	s3 =	simm.s32 $0x108;
	s8 =	sld [smem:$0x3FA5]  }
0x2e: {  	s3 =	simm.s32 @!p0 $0x1082;
	s9 =	sld [smem:$0x3FA6]  }
0x2f: {  	lr =	sadd.s32 s0, s3;
	s0 =	sld [smem:$0x3F9D]  }
0x30: {  	s3 =	sld [smem:$0x3FA0]  }
0x31: {  	[smem:$0x3FA9] =	sst s10  }
0x32: {  	s10 =	sld [smem:$0x3FA7];
	_ =	sdelay $0x3  }
0x33: {  	p0 =	seq.s32 s10, $0x1;
	s10 =	sld [smem:$0x3FA9];
	_ =	sdelay $0x3  }
0x34: {  	[smem:$0x3FA9] =	sst s10  }
0x35: {  	s10 =	sld [smem:$0x3FA8];
	_ =	sdelay $0x3  }
0x36: {  	p1 =	seq.s32 s10, $0x1;
	s10 =	sld [smem:$0x3FA9];
	_ =	sdelay $0x3  }
0x37: {  	[smem:$0x3FA9] =	sst s10  }
0x38: {  	s10 =	sld [smem:$0x3FAA]  }
0x39: {  	_ = 	snop;
	(pc) =	sbr.ind lr, $3  }
0x3a: {  	_ = 	snop  }
0x3b: {  	_ = 	snop  }
0x3c: {  	p2 =	seq.s32 s10, $0x1;
	s10 =	sld [smem:$0x3FA9]  }
0x3d: {  	_ =	shalt  }
0x3e: {  	_ =	shalt  }
0x3f: {  	_ =	shalt  }
0x40: {  	_ =	shalt  }
0x41: {  	_ =	shalt  }
0x42: {  	_ =	shalt  }
0x43: {  	_ =	shalt  }
0x44: {  	_ =	shalt  }
0x45: {  	_ =	shalt  }
0x46: {  	_ =	shalt  }
0x47: {  	_ =	shalt  }
0x48: {  	_ =	shalt  }
0x49: {  	_ =	shalt  }
0x4a: {  	_ =	shalt  }
0x4b: {  	_ =	shalt  }
0x4c: {  	_ =	shalt  }
0x4d: {  	_ =	shalt  }
0x4e: {  	_ =	shalt  }
0x4f: {  	_ =	shalt  }
0x50: {  	_ =	shalt  }
0x51: {  	_ =	shalt  }
0x52: {  	_ =	shalt  }
0x53: {  	_ =	shalt  }
0x54: {  	_ =	shalt  }
0x55: {  	_ =	shalt  }
0x56: {  	_ =	shalt  }
0x57: {  	_ =	shalt  }
0x58: {  	_ =	shalt  }
0x59: {  	_ =	shalt  }
0x5a: {  	_ =	shalt  }
0x5b: {  	_ =	shalt  }
0x5c: {  	_ =	shalt  }
0x5d: {  	_ =	shalt  }
0x5e: {  	_ =	shalt  }
0x5f: {  	_ =	shalt  }
0x60: {  	_ =	shalt  }
0x61: {  	_ =	shalt  }
0x62: {  	_ =	shalt  }
0x63: {  	_ =	shalt  }
0x64: {  	_ =	shalt  }
0x65: {  	_ =	shalt  }
0x66: {  	_ =	shalt  }
0x67: {  	_ =	shalt  }
0x68: {  	_ =	shalt  }
0x69: {  	_ =	shalt  }
0x6a: {  	_ =	shalt  }
0x6b: {  	_ =	shalt  }
0x6c: {  	_ =	shalt  }
0x6d: {  	_ =	shalt  }
0x6e: {  	_ =	shalt  }
0x6f: {  	_ =	shalt  }
0x70: {  	_ =	shalt  }
0x71: {  	_ =	shalt  }
0x72: {  	_ =	shalt  }
0x73: {  	_ =	shalt  }
0x74: {  	_ =	shalt  }
0x75: {  	_ =	shalt  }
0x76: {  	_ =	shalt  }
0x77: {  	_ =	shalt  }
0x78: {  	_ =	shalt  }
0x79: {  	_ =	shalt  }
0x7a: {  	_ =	shalt  }
0x7b: {  	_ =	shalt  }
0x7c: {  	_ =	shalt  }
0x7d: {  	_ =	shalt  }
0x7e: {  	_ =	shalt  }
0x7f: {  	_ =	shalt  }
0x80: {  	_ =	shalt  }
0x81: {  	_ =	shalt  }
0x82: {  	_ =	shalt  }
0x83: {  	_ =	shalt  }
0x84: {  	_ =	shalt  }
0x85: {  	_ =	shalt  }
0x86: {  	_ =	shalt  }
0x87: {  	_ =	shalt  }
.Lfunc_end0:
.L_simem_size_0:
called_computation_lowered:
.L_overlay_start_0:
0x88: {  	s2 =	sld [smem:$0x3FD9]  }
0x89: {  	s3 =	sld [smem:$0x3FFE];
	_ =	sdelay $0x1  }
0x8a: {  	s1 =	srdreg.scid  }
0x8b: {  	s0 =	sand.u32 $0x1, s1  }
0x8c: {  	s16 =	sshll.u32 s0, $0xA;
	s2 =	sadd.s32 s3, s2  }
0x8d: {  	s2 =	sadd.s32 s2, s16  }
0x8e: {  	[smem:$0x3FB5] =	sst s2  }
0x8f: {  	_ = 	snop  }
0x90: {  	(tm) =	ssettm $0x1  }
0x91: {  	s17 =	sld [smem:$0x3FFB];
	_ =	sdelay $0x3  }
0x92: {  	_ =	strace s17  }
0x93: {  	s2 =	sld [smem:$0x3FFC];
	_ =	sdelay $0x3  }
0x94: {  	_ =	strace s2  }
0x95: {  	s2 =	sld [smem:$0x3FFD];
	_ =	sdelay $0x3  }
0x96: {  	_ =	strace s2  }
0x97: {  	_ =	strace $0x8FFFFFFF  }
0x98: {  	s18 =	sld [smem:$0x3FDB];
	_ =	sdelay $0x1  }
0x99: {  	s19 =	simm.s32 $_scs_section_size  }
0x9a: {  	s4 =	simm.s32 $_size__tile_overlayer_lowered;
	s5 =	simm.s32 $_tile_overlayer_lowered  }
0x9b: {  	s22 =	simm.s32 $0x1BFF;
	s21 =	sshll.u32 s5, $0x1;
	s2 =	sadd.s32 s19, s18  }
0x9c: {  	s6 =	simm.s32 $0x0;
	s20 =	sshll.u32 s4, $0x1;
	s4 =	sadd.s32 s21, s2  }
0x9d: {  	[timem:s6], [sflag:s22] =	dma.local [hbm:s4], s20  }
0x9e: {  	_ =	swait.ge [sflag:s22], s20  }
0x9f: {  	s3 =	ssub.s32 $0x0, s20;
	[sflag:s22] =	ssyncset.done $0x0  }
0xa0: {  	[sflag:s22] =	ssyncadd.s32 s3;
	_ =	sdelay $0x1  }
0xa1: {  	s23 =	simm.s32 $0x1B8B  }
0xa2: {  	_ =	swait.ge [sflag:s23], $0x1  }
0xa3: {  	[sflag:s23] =	ssyncset.done $0x0  }
0xa4: {  	s25 =	simm.s32 $0x1B8E;
	s24 =	sld [smem:$0x3FFE];
	[sflag:s23] =	ssyncadd.s32 $0xFFFFFFFF  }
0xa5: {  	s26 =	simm.s32 $execute0_lowered;
	[smem:$0x3FD2] =	sst s25  }
0xa6: {  	s4 =	sshll.u32 s26, $0x1;
	_ =	strace $0x80000046;
	[dreg:$0x1] =	wrdreg $0xFFFFFFFF  }
0xa7: {  	s28 =	simm.s32 $_size_execute0_lowered;
	s2 =	sadd.s32 s2, s4;
	[dreg:$0x0] =	wrdreg $0x0  }
0xa8: {  	s4 =	sshll.u32 s28, $0x1;
	[dreg:$0x2] =	wrdreg s2  }
0xa9: {  	[dreg:$0x3] =	wrdreg s4  }
0xaa: {  	[dreg:$0x4] =	wrdreg $0xC0  }
0xab: {  	_ =	task [dreg:s6], $0x5FFFF  }
0xac: {  	[dreg:$0x1] =	wrdreg $0xFFFFFFFF  }
0xad: {  	[dreg:$0x0] =	wrdreg $0x60  }
0xae: {  	[dreg:$0x2] =	wrdreg s24  }
0xaf: {  	[dreg:$0x3] =	wrdreg $0x9  }
0xb0: {  	_ =	task.clear_ibuf [dreg:s6], $0x4FFFF;
	_ =	strace $0x90000046  }
0xb1: {  	s29 =	simm.s32 $0x9;
	_ =	strace $0x80000048  }
0xb2: {  	_ =	swait.ge [sflag:s29], $0x1  }
0xb3: {  	[sflag:s29] =	ssyncadd.s32 $0xFFFFFFFF  }
0xb4: {  	_ =	strace $0x90000048  }
0xb5: {  	_ =	sfence  }
0xb6: {  	s30 =	sld [smem:$0x0];
	_ =	sdelay $0x2  }
0xb7: {  	s31 =	sshll.u32 s1, $0xD;
	s1 =	sshrl.u32 s1, $0x2  }
0xb8: {  	s3 =	sand.u32 $0x4000, s31;
	s1 =	sadd.s32 s1, s30  }
0xb9: {  	s0 =	sor.u32 s3, s0;
	s1 =	sshll.u32 s1, $0x11  }
0xba: {  	s0 =	sor.u32 s1, s0  }
0xbb: {  	s0 =	sadd.s32 $0x8F2B, s0  }
0xbc: {  	[sflag:s0] =	ssyncadd.remote.s32 $0x1  }
0xbd: {  	_ =	sfence.sel $0xFFFF  }
0xbe: {  	[dreg:$0x0] =	wrdreg $0xFFFFFFFF;
	(pc) =	sbr.abs _section_cstart, $3  }
0xbf: {  	[dreg:$0x1] =	wrdreg $0xFFFFFFFF  }
0xc0: {  	_ =	task.clear_ibuf [dreg:s6], $0x2FFFF;
	_ =	strace $0x9FFFFFFF  }
0xc1: {  	(tm) =	ssettm $0x7FFFFFFF  }
tec
execute0_lowered:
.L_overlay_start_1:
0x0: {  	(tag) =	ssettag $0x1  }
0x1: {  	s4 =	rddreg [dreg:$0x0]  }
0x2: {  	s0 =	rddreg [dreg:$0x1]  }
0x3: {  	s3 =	srdreg.scid;
	s1 =	stileid.u32;
	s2 =	simm.s32 $0x0  }
0x4: {  	s13 =	simm.s32 $0x4400;
	s14 =	simm.s32 $0x1;
	s15 =	simm.s32 $0x2  }
0x5: {  	s16 =	simm.s32 $0x3380;
	s17 =	simm.s32 $0x0;
	s9 =	smul.u32 $0xD0, s1  }
0x6: {  	s7 =	sand.u32 $0x1, s3;
	s24 =	sshll.u32 s1, $0x1;
	s29 =	smul.u32 $0x1A000, s1  }
0x7: {  	[smem:$0x7FF] =	sst s2;
	s3 =	sadd.s32 $0x27AF200, s4;
	s11 =	smul.u32 $0x68, s7  }
0x8: {  	s12 =	sadd.s32 $0xFE00, s4;
	s5 =	sor.u32 s7, s24;
	s30 =	smul.u32 $0xD000, s7  }
0x9: {  	_ =	strace $0x80000047;
	s8 =	ssub.s32 $0x2, s7;
	s6 =	smul.u32 $0x680, s5  }
0xa: {  	s10 =	sshrl.u32 s8, $0x1;
	s25 =	smul.u32 $0xD000, s5;
	s31 =	sadd.s32 s29, s12  }
0xb: {  	s8 =	ssub.s32 s8, s10;
	s26 =	sadd.s32 s11, s9;
	s10 =	simm.s32 $0x3  }
0xc: {  	s11 =	simm.s32 $0x80;
	s6 =	sadd.s32 s6, s4;
	s5 =	smax.u32 s8, $0x1  }
0xd: {  	s28 =	sadd.s32 s12, s25;
	s9 =	sshll.u32 s26, $0x9;
	s4 =	sadd.s32 $0x2E00, s6  }
0xe: {  	s6 =	sadd.s32 $0xCC00, s28;
	s9 =	sadd.s32 s9, s12;
	s7 =	sadd.s32 $0xCE00, s28  }
0xf: {  	s12 =	simm.s32 $0x3400;
	s8 =	sadd.s32 $0x200, s9;
	s9 =	sadd.s32 s30, s31  }
.LBB2_1:
0x10: {  	[tilespmem:s2], [sflag:$0x3] =	stream.linear.gather [hbm4b:s4+s2], $0x3400, $0x38;
	[tilespmem:$0x5400] =	vst v63  }
0x11: {  	_ =	swait.ge [sflag:s10], $0x3400  }
0x12: {  	[sflag:s10] =	ssyncset.done $0x0  }
0x13: {  	[sflag:s10] =	ssyncadd.s32 $0xFFFFCC00  }
0x14: {  	[tilespmem:s12], [sflag:$0x1] =	stream.indirect.gather [hbm4b:s3+s11], $0x20, s2, s11, $0xb8;
	[tilespmem:$0x5400] =	vst v63  }
0x15: {  	s18 =	simm.s32 $0x80  }
0x16: {  	[tilespmem:s13], [sflag:$0x2] =	stream.indirect.gather [hbm4b:s3+s11], $0x20, s18, s11, $0xb8;
	[tilespmem:$0x5400] =	vst v63  }
0x17: {  	_ =	swait.ge [sflag:s14], $0x1000  }
0x18: {  	[sflag:s14] =	ssyncset.done $0x0  }
0x19: {  	s29 =	sadd.s32 $0x0, s9;
	[sflag:s14] =	ssyncadd.s32 $0xFFFFF000  }
0x1a: {  	[hbm4b:s29+s2] =	stream.linear.scatter [tilespmem:s12], [sflag:$0x3], $0x1000, $0x38;
	[tilespmem:$0x5400] =	vst v63  }
0x1b: {  	_ =	swait.ge [sflag:s10], $0x1000  }
0x1c: {  	[sflag:s10] =	ssyncset.done $0x0  }
0x1d: {  	s30 =	simm.s32 $0x100;
	[sflag:s10] =	ssyncadd.s32 $0xFFFFF000  }
0x1e: {  	[tilespmem:s12], [sflag:$0x1] =	stream.indirect.gather [hbm4b:s3+s11], $0x20, s30, s11, $0xb8;
	[tilespmem:$0x5400] =	vst v63  }
0x1f: {  	_ =	swait.ge [sflag:s15], $0x1000  }
0x20: {  	[sflag:s15] =	ssyncset.done $0x0  }
0x21: {  	s31 =	sadd.s32 $0x0, s8;
	[sflag:s15] =	ssyncadd.s32 $0xFFFFF000  }
0x22: {  	[hbm4b:s31+s2] =	stream.linear.scatter [tilespmem:s13], [sflag:$0x3], $0x1000, $0x38;
	[tilespmem:$0x5400] =	vst v63  }
0x23: {  	s20 =	simm.s32 $0x800;
	_ =	swait.ge [sflag:s10], $0x1000  }
0x24: {  	s19 =	simm.s32 $0x100;
	s18 =	simm.s32 $0x400;
	[sflag:s10] =	ssyncset.done $0x0  }
.LBB2_2:
0x25: {  	s21 =	sadd.s32 $0x80, s19  }
0x26: {  	[sflag:s10] =	ssyncadd.s32 $0xFFFFF000;
	s22 =	smov.u32 s20;
	s23 =	sadd.s32 $0x400, s20  }
0x27: {  	[tilespmem:s13], [sflag:$0x2] =	stream.indirect.gather [hbm4b:s3+s11], $0x20, s21, s11, $0xb8;
	[tilespmem:$0x5400] =	vst v63  }
0x28: {  	p0 =	sne.s32 s20, $0xC800;
	_ =	swait.ge [sflag:s14], $0x1000  }
0x29: {  	[sflag:s14] =	ssyncset.done $0x0  }
0x2a: {  	s20 =	sadd.s32 s18, s9;
	[sflag:s14] =	ssyncadd.s32 $0xFFFFF000  }
0x2b: {  	[hbm4b:s20+s2] =	stream.linear.scatter [tilespmem:s12], [sflag:$0x3], $0x1000, $0x38;
	[tilespmem:$0x5400] =	vst v63  }
0x2c: {  	_ =	swait.ge [sflag:s10], $0x1000  }
0x2d: {  	[sflag:s10] =	ssyncset.done $0x0  }
0x2e: {  	s19 =	sadd.s32 $0x100, s19;
	[sflag:s10] =	ssyncadd.s32 $0xFFFFF000  }
0x2f: {  	[tilespmem:s12], [sflag:$0x1] =	stream.indirect.gather [hbm4b:s3+s11], $0x20, s19, s11, $0xb8;
	[tilespmem:$0x5400] =	vst v63  }
0x30: {  	_ =	swait.ge [sflag:s15], $0x1000  }
.Ltmp0:
0x31: {  	[sflag:s15] =	ssyncset.done $0x0;
	(pc) =	sbr.rel @p0 .LBB2_2-.Ltmp0, $4  }
0x32: {  	s19 =	sadd.s32 s18, s8;
	s18 =	smov.u32 s22;
	[sflag:s15] =	ssyncadd.s32 $0xFFFFF000  }
0x33: {  	[hbm4b:s19+s2] =	stream.linear.scatter [tilespmem:s13], [sflag:$0x3], $0x1000, $0x38;
	[tilespmem:$0x5400] =	vst v63  }
0x34: {  	_ =	swait.ge [sflag:s10], $0x1000  }
0x35: {  	s20 =	smov.u32 s23;
	s19 =	sshra.s32 s18, $0x2;
	[sflag:s10] =	ssyncset.done $0x0  }
0x36: {  	s20 =	sadd.s32 $0x80, s19;
	[sflag:s10] =	ssyncadd.s32 $0xFFFFF000  }
0x37: {  	[tilespmem:s13], [sflag:$0x2] =	stream.indirect.gather [hbm4b:s3+s11], $0x20, s20, s11, $0xb8;
	[tilespmem:$0x5400] =	vst v63  }
0x38: {  	_ =	swait.ge [sflag:s14], $0x1000  }
0x39: {  	[sflag:s14] =	ssyncset.done $0x0  }
0x3a: {  	s29 =	sadd.s32 s18, s9;
	[sflag:s14] =	ssyncadd.s32 $0xFFFFF000  }
0x3b: {  	[hbm4b:s29+s2] =	stream.linear.scatter [tilespmem:s12], [sflag:$0x3], $0x1000, $0x38;
	[tilespmem:$0x5400] =	vst v63  }
0x3c: {  	_ =	swait.ge [sflag:s10], $0x1000  }
0x3d: {  	[sflag:s10] =	ssyncset.done $0x0  }
0x3e: {  	s30 =	sadd.s32 $0x100, s19;
	[sflag:s10] =	ssyncadd.s32 $0xFFFFF000  }
0x3f: {  	[tilespmem:s12], [sflag:$0x1] =	stream.indirect.gather [hbm4b:s3+s11], $0x20, s30, s11, $0xb8;
	[tilespmem:$0x5400] =	vst v63  }
0x40: {  	_ =	swait.ge [sflag:s15], $0x1000  }
0x41: {  	[sflag:s15] =	ssyncset.done $0x0  }
0x42: {  	s31 =	sadd.s32 s18, s8;
	[sflag:s15] =	ssyncadd.s32 $0xFFFFF000  }
0x43: {  	[hbm4b:s31+s2] =	stream.linear.scatter [tilespmem:s13], [sflag:$0x3], $0x1000, $0x38;
	[tilespmem:$0x5400] =	vst v63  }
0x44: {  	_ =	swait.ge [sflag:s10], $0x1000  }
0x45: {  	[sflag:s10] =	ssyncset.done $0x0  }
0x46: {  	[sflag:s10] =	ssyncadd.s32 $0xFFFFF000  }
0x47: {  	[tilespmem:s13], [sflag:$0x2] =	stream.indirect.gather [hbm4b:s3+s11], $0x20, s16, s11, $0xb8;
	[tilespmem:$0x5400] =	vst v63  }
0x48: {  	_ =	swait.ge [sflag:s14], $0x1000  }
0x49: {  	[sflag:s14] =	ssyncset.done $0x0  }
0x4a: {  	[sflag:s14] =	ssyncadd.s32 $0xFFFFF000  }
0x4b: {  	[hbm4b:s6+s2] =	stream.linear.scatter [tilespmem:s12], [sflag:$0x3], $0x1000, $0x38;
	[tilespmem:$0x5400] =	vst v63  }
0x4c: {  	_ =	swait.ge [sflag:s10], $0x1000  }
0x4d: {  	[sflag:s10] =	ssyncset.done $0x0  }
0x4e: {  	[sflag:s10] =	ssyncadd.s32 $0xFFFFF000  }
0x4f: {  	s17 =	sadd.s32 $0x1, s17;
	_ =	swait.ge [sflag:s15], $0x1000  }
0x50: {  	p0 =	sne.s32 s17, s5;
	[sflag:s15] =	ssyncset.done $0x0  }
.Ltmp1:
0x51: {  	[sflag:s15] =	ssyncadd.s32 $0xFFFFF000;
	(pc) =	sbr.rel @p0 .LBB2_1-.Ltmp1, $4  }
0x52: {  	[hbm4b:s7+s2] =	stream.linear.scatter [tilespmem:s13], [sflag:$0x3], $0x1000, $0x38;
	[tilespmem:$0x5400] =	vst v63  }
0x53: {  	_ =	swait.ge [sflag:s10], $0x1000  }
0x54: {  	[sflag:s10] =	ssyncset.done $0x0  }
0x55: {  	[sflag:s10] =	ssyncadd.s32 $0xFFFFF000  }
0x56: {  	_ =	sfence.sel $0x180000  }
0x57: {  	[bflag:$0x0] =	sbarrier.arrive $0xFFFF  }
0x58: {  	p0 =	sne.s32 s1, $0x0;
	_ =	strace $0x90000047  }
0x59: {  	s0 =	sadd.s32 @!p0 $0x100000, s0;
	[bflag:$0x2] =	sbarrier.arrive $0xFFFF  }
0x5a: {  	[sflag:s0] =	ssyncadd.tile.s32 @!p0 $0x1;
	_ =	shalt  }
.Lfunc_end2:
_tile_overlayer_lowered:
.L_overlay_start_2:
0x5b: {  	(tag) =	ssettag $0x2  }
0x5c: {  	s0 =	rddreg [dreg:$0x0];
	s2 =	stileid.u32  }
0x5d: {  	s1 =	rddreg [dreg:$0x1];
	p0 =	sne.s32 s2, $0x0  }
0x5e: {  	s3 =	rddreg [dreg:$0x2];
	[bflag:$0x3] =	sbarrier.arrive $0xFFFF;
	s2 =	simm.s32 @!p0 $0x1C03  }
0x5f: {  	[timem:s3], [sflag:s2] =	dma.local @!p0 [hbm:s0], s1  }
0x60: {  	s0 =	simm.s32 @!p0 $0x3  }
0x61: {  	_ =	swait.ge @!p0 [sflag:s0], s1  }
0x62: {  	s1 =	ssub.s32 @!p0 $0x0, s1;
	[sflag:s0] =	ssyncset.done @!p0 $0x0  }
0x63: {  	[sflag:s0] =	ssyncadd.s32 @!p0 s1  }
0x64: {  	[bflag:$0x3] =	sbarrier.arrive $0xFFFF  }
0x65: {  	_ =	shalt  }

</sc_bundles>
